<compile_context>
chip_gen: v7x
topology: tpu7x:2x2x1
jax: 0.10.2.dev20260603
libtpu: 0.0.44.dev20260713+nightly
codegen_flags: <defaults>
</compile_context>

<pallas_src>
import jax
import jax.numpy as jnp
from jax.experimental import pallas as pl
from jax.experimental.pallas import tpu as pltpu
from jax.experimental.pallas import tpu_sc as plsc

_N_E = 8192
_E_DIM = 32
_N_TOK = 32768

_TILE = 512
_CHUNK = 2048
_HALF = _N_E // 2


def _argmin_body(z_ref, wt_ref, zsq_ref, wsq_ref, idx_ref, pxp_ref, counts_ref):
    step = pl.program_id(0)
    nsteps = pl.num_programs(0)

    @pl.when(step == 0)
    def _():
        counts_ref[...] = jnp.zeros_like(counts_ref)

    z = z_ref[...]
    zb = z.astype(jnp.bfloat16)
    zsq = zsq_ref[...]
    iota_row = jax.lax.broadcasted_iota(jnp.int32, (1, _CHUNK), 1)

    halves = []
    for h in range(2):
        best_val = jnp.full((_TILE, 1), jnp.inf, dtype=jnp.float32)
        best_idx = jnp.zeros((_TILE, 1), dtype=jnp.int32)
        for cc in range(_HALF // _CHUNK):
            c = h * (_HALF // _CHUNK) + cc
            wt_c = wt_ref[:, c * _CHUNK:(c + 1) * _CHUNK]
            wsq_c = wsq_ref[:, c * _CHUNK:(c + 1) * _CHUNK]
            mm2 = jnp.dot(zb, wt_c.astype(jnp.bfloat16),
                          preferred_element_type=jnp.float32)
            d = (zsq + wsq_c) + mm2
            m = jnp.min(d, axis=1, keepdims=True)
            i = jnp.min(jnp.where(d == m, iota_row + c * _CHUNK,
                                  jnp.int32(_N_E)), axis=1,
                        keepdims=True)
            upd = m < best_val
            best_val = jnp.where(upd, m, best_val)
            best_idx = jnp.where(upd, i, best_idx)
        halves.append((best_val, best_idx))

    (m1, i1), (m2, i2) = halves
    b0 = m1.astype(jnp.bfloat16).astype(jnp.float32)
    win2 = m2 < b0
    best_idx = jnp.where(win2, i2, i1)

    idx_ref[...] = best_idx

    for c in range(_N_E // _CHUNK):
        hit = (best_idx == iota_row + c * _CHUNK).astype(jnp.float32)
        counts_ref[:, c * _CHUNK:(c + 1) * _CHUNK] += jnp.sum(
            hit, axis=0, keepdims=True)

    @pl.when(step == nsteps - 1)
    def _():
        e_mean = counts_ref[...] * (1.0 / _N_TOK)
        ent = e_mean * jnp.log(e_mean + 1e-10)
        pxp_ref[...] = jnp.exp(-jnp.sum(ent)).reshape(1, 1)


def _tc_argmin(z, wt, zsq, wsq):
    n_tiles = _N_TOK // _TILE
    return pl.pallas_call(
        _argmin_body,
        grid=(n_tiles,),
        in_specs=[
            pl.BlockSpec((_TILE, _E_DIM), lambda i: (i, 0)),
            pl.BlockSpec((_E_DIM, _N_E), lambda i: (0, 0)),
            pl.BlockSpec((_TILE, 1), lambda i: (i, 0)),
            pl.BlockSpec((1, _N_E), lambda i: (0, 0)),
        ],
        out_specs=[
            pl.BlockSpec((_TILE, 1), lambda i: (i, 0)),
            pl.BlockSpec((1, 1), lambda i: (0, 0)),
        ],
        out_shape=[
            jax.ShapeDtypeStruct((_N_TOK, 1), jnp.int32),
            jax.ShapeDtypeStruct((1, 1), jnp.float32),
        ],
        scratch_shapes=[pltpu.VMEM((1, _N_E), jnp.float32)],
    )(z, wt, zsq, wsq)


_GROW = 128


def _sc_gather(w_pad, idx2d):
    win = 128
    mesh = plsc.VectorSubcoreMesh(core_axis_name="c", subcore_axis_name="s")

    @pl.kernel(
        out_type=jax.ShapeDtypeStruct((_N_TOK, _GROW), w_pad.dtype),
        mesh=mesh,
    )
    def k(w_hbm, i_hbm, o_hbm):
        def body(i_vmem, o_vmem):
            pltpu.sync_copy(w_hbm.at[i_vmem.at[0]], o_vmem)

        pltpu.emit_pipeline(
            body,
            grid=(_N_TOK // win,),
            in_specs=[pl.BlockSpec((1, win), index_map=lambda i: (0, i))],
            out_specs=[pl.BlockSpec((win, _GROW), index_map=lambda i: (i, 0))],
            core_axis_name=("c", "s"),
            dimension_semantics=(pltpu.PARALLEL,),
        )(i_hbm, o_hbm)

    return k(w_pad, idx2d)


def kernel(z, W):
    wt = -2.0 * W.T
    zsq = jnp.sum(z ** 2, axis=1, keepdims=True)
    wsq = jnp.sum(W ** 2, axis=1)[None, :]
    idx, pxp = _tc_argmin(z, wt, zsq, wsq)
    w_pad = jnp.pad(W, ((0, 0), (0, _GROW - _E_DIM)))
    zq = _sc_gather(w_pad, idx.reshape(1, _N_TOK))[:, :_E_DIM]
    z_q = z + (zq - z)
    return (z_q, pxp.reshape(()))

# --- scband reference (transcript-rebuilt; emitter-appended) ---
"""Pipeline reference for scband-vector-quantizer-restart-78529182040262 (READ-ONLY COPY).

The authoritative reference and input builder live on the scoring server;
editing this copy changes nothing except your own understanding.
"""

import jax, jax.numpy as jnp
import numpy as np

N_E = 8192
E_DIM = 32
N_TOK = 32768

def setup_inputs(seed: int = 0) -> dict:
    key = jax.random.key(seed)
    k1, k2 = jax.random.split(key)
    z = jax.random.normal(k1, (N_TOK, E_DIM), dtype=jnp.float32)
    # learned codebook (nn.Embedding weight); original loads from file, we init randomly
    W = jax.random.normal(k2, (N_E, E_DIM), dtype=jnp.float32) * 0.02
    return {"z": z, "W": W}

def reference(z, W):
    # pairwise squared distances: ||z||^2 + ||e||^2 - 2 z e^T
    d = jnp.sum(z ** 2, axis=1, keepdims=True) + jnp.sum(W ** 2, axis=1) - 2.0 * jnp.matmul(z, W.T)
    min_encoding_indices = jnp.argmin(d, axis=1)
    # one-hot encodings (scatter_ of ones)
    min_encodings = jax.nn.one_hot(min_encoding_indices, N_E, dtype=z.dtype)
    # quantized vectors via one-hot matmul (equivalent to gather W[idx])
    z_q = jnp.matmul(min_encodings, W)
    z_q = z_q.reshape(z.shape)
    # straight-through estimator
    z_q = z + jax.lax.stop_gradient(z_q - z)
    e_mean = jnp.mean(min_encodings, axis=0)
    perplexity = jnp.exp(-jnp.sum(e_mean * jnp.log(e_mean + 1e-10)))
    return (z_q, perplexity)

if __name__ == "__main__":
    import jax
    _d = setup_inputs()
    print(jax.jit(kernel)(*tuple(_d.values())))

</pallas_src>

<mosaic_0001>
#map = affine_map<(d0, d1) -> (0, 0)>
module attributes {stable_mosaic.version = 14 : i64} {
  func.func @k(%arg0: i32, %arg1: i32, %arg2: memref<8192x128xf32, #tpu.memory_space<hbm>>, %arg3: memref<1x32768xi32, #tpu.memory_space<hbm>>, %arg4: memref<32768x128xf32, #tpu.memory_space<hbm>>) attributes {dimension_semantics = [#tpu.dimension_semantics<core_parallel>, #tpu.dimension_semantics<subcore_parallel>], iteration_bounds = array<i64: 2, 16>, scalar_prefetch = 0 : i64, scratch_operands = 0 : i64, tpu.core_type = #tpu.core_type<sc_vector_subcore>, window_params = [{transform_indices = #map}, {transform_indices = #map}, {transform_indices = #map}]} {
    %mul3A = arith.constant 1 : i32
    %mul3A_0 = arith.muli %arg1, %mul3A : i32
    %add3A = arith.constant 0 : i32
    %add3A_1 = arith.addi %add3A, %mul3A_0 : i32
    %mul3A_2 = arith.constant 16 : i32
    %mul3A_3 = arith.muli %arg0, %mul3A_2 : i32
    %add3A_4 = arith.addi %add3A_1, %mul3A_3 : i32
    %mul3A_5 = arith.constant 8 : i32
    %mul3A_6 = arith.muli %add3A_4, %mul3A_5 : i32
    "tpu.region"() ({
      %run_scoped3A = memref.alloca() : memref<2x1x128xi32, #tpu.memory_space<vmem>>
      %run_scoped3A_7 = tpu.sem_alloc : memref<2x!tpu.dma_semaphore, #tpu.memory_space<semaphore_mem>>
      %run_scoped3A_8 = memref.alloca() : memref<2x128x128xf32, #tpu.memory_space<vmem>>
      %run_scoped3A_9 = tpu.sem_alloc : memref<2x!tpu.dma_semaphore, #tpu.memory_space<semaphore_mem>>
      %add3A_10 = arith.constant 0 : i32
      %add3A_11 = arith.addi %add3A_10, %mul3A_6 : i32
      %select_n3A = arith.constant true
      %select_n3A_12 = arith.constant 0 : i32
      %select_n3A_13 = arith.constant -1 : i32
      %select_n3A_14 = arith.select %select_n3A, %select_n3A_13, %select_n3A_12 : i32
      %eq3A = arith.constant -1 : i32
      %eq3A_15 = arith.cmpi eq, %select_n3A_14, %eq3A : i32
      %select_n3A_16 = arith.constant 7 : i32
      %select_n3A_17 = arith.select %eq3A_15, %select_n3A_16, %select_n3A_14 : i32
      %add3A_18 = arith.addi %select_n3A_17, %mul3A_6 : i32
      %select_n3A_19 = arith.constant true
      %select_n3A_20 = arith.constant 0 : i32
      %select_n3A_21 = arith.constant 1 : i32
      %select_n3A_22 = arith.select %select_n3A_19, %select_n3A_21, %select_n3A_20 : i32
      %eq3A_23 = arith.constant 8 : i32
      %eq3A_24 = arith.cmpi eq, %select_n3A_22, %eq3A_23 : i32
      %select_n3A_25 = arith.constant 0 : i32
      %select_n3A_26 = arith.select %eq3A_24, %select_n3A_25, %select_n3A_22 : i32
      %add3A_27 = arith.addi %select_n3A_26, %mul3A_6 : i32
      %add3A_28 = arith.constant 1 : i32
      %add3A_29 = arith.addi %select_n3A_26, %add3A_28 : i32
      %select_n3A_30 = arith.constant true
      %select_n3A_31 = arith.select %select_n3A_30, %add3A_29, %select_n3A_26 : i32
      %eq3A_32 = arith.constant 8 : i32
      %eq3A_33 = arith.cmpi eq, %select_n3A_31, %eq3A_32 : i32
      %select_n3A_34 = arith.constant 0 : i32
      %select_n3A_35 = arith.select %eq3A_33, %select_n3A_34, %select_n3A_31 : i32
      %add3A_36 = arith.addi %select_n3A_35, %mul3A_6 : i32
      "tpu.trace_start"() <{level = 10 : i32, message = "ep_initialize_0"}> : () -> ()
      %rem3A = arith.constant 0 : i32
      %rem3A_37 = arith.constant 2 : i32
      %rem3A_38 = arith.remui %rem3A, %rem3A_37 : i32
      %mul3A_39 = arith.constant 128 : i32
      %mul3A_40 = arith.muli %mul3A_39, %add3A_11 : i32
      %dma_start3A = arith.constant 0 : i32
      %dma_start3A_41 = arith.constant 0 : i32
      %dma_start3A_42 = tpu.memref_slice %run_scoped3A[%rem3A_38, %dma_start3A, %dma_start3A_41] : memref<2x1x128xi32, #tpu.memory_space<vmem>> -> memref<1x1x128xi32, #tpu.memory_space<vmem>>
      %dma_start3A_43 = tpu.memref_squeeze %dma_start3A_42 : memref<1x1x128xi32, #tpu.memory_space<vmem>> -> memref<1x128xi32, #tpu.memory_space<vmem>>
      %dma_start3A_44 = arith.constant 0 : i32
      %dma_start3A_45 = tpu.memref_slice %arg3[%dma_start3A_44, %mul3A_40] : memref<1x32768xi32, #tpu.memory_space<hbm>> -> memref<1x128xi32, #tpu.memory_space<hbm>>
      %dma_start3A_46 = tpu.memref_slice %run_scoped3A_7[%rem3A_38] : memref<2x!tpu.dma_semaphore, #tpu.memory_space<semaphore_mem>> -> memref<1x!tpu.dma_semaphore, #tpu.memory_space<semaphore_mem>>
      %dma_start3A_47 = tpu.memref_squeeze %dma_start3A_46 : memref<1x!tpu.dma_semaphore, #tpu.memory_space<semaphore_mem>> -> memref<!tpu.dma_semaphore, #tpu.memory_space<semaphore_mem>>
      %dma_start3A_48 = arith.constant 0 : i32
      %dma_start3A_49 = arith.constant 0 : i32
      %dma_start3A_50 = tpu.memref_slice %run_scoped3A[%rem3A_38, %dma_start3A_48, %dma_start3A_49] : memref<2x1x128xi32, #tpu.memory_space<vmem>> -> memref<1x1x128xi32, #tpu.memory_space<vmem>>
      %dma_start3A_51 = tpu.memref_squeeze %dma_start3A_50 : memref<1x1x128xi32, #tpu.memory_space<vmem>> -> memref<1x128xi32, #tpu.memory_space<vmem>>
      %dma_start3A_52 = arith.constant 0 : i32
      %dma_start3A_53 = tpu.memref_slice %arg3[%dma_start3A_52, %mul3A_40] : memref<1x32768xi32, #tpu.memory_space<hbm>> -> memref<1x128xi32, #tpu.memory_space<hbm>>
      tpu.enqueue_dma source(%dma_start3A_53 : memref<1x128xi32, #tpu.memory_space<hbm>>) target(%dma_start3A_51 : memref<1x128xi32, #tpu.memory_space<vmem>>) target_semaphore(%dma_start3A_47 : memref<!tpu.dma_semaphore, #tpu.memory_space<semaphore_mem>>)
      %add3A_54 = arith.constant 0 : i32
      %add3A_55 = arith.constant 1 : i32
      %add3A_56 = arith.addi %add3A_54, %add3A_55 : i32
      %select_n3A_57 = arith.constant true
      %select_n3A_58 = arith.constant 0 : i32
      %select_n3A_59 = arith.select %select_n3A_57, %add3A_56, %select_n3A_58 : i32
      "tpu.trace_stop"() : () -> ()
      %scan3A = arith.constant 0 : i32
      %scan3A_60 = arith.constant 0 : i32
      %scan3A_61 = arith.constant 0 : i32
      %scan3A_62 = arith.constant 0 : i32
      %scan3A_63 = arith.constant 0 : i32
      %scan3A_64 = arith.constant 8 : i32
      %scan3A_65 = arith.addi %scan3A_63, %scan3A_64 : i32
      %scan3A_66 = arith.constant 1 : i32
      %scan3A_67:5 = scf.for %scan3A_121 = %scan3A_63 to %scan3A_65 step %scan3A_66 iter_args(%scan3A_122 = %select_n3A_59, %scan3A_123 = %scan3A, %scan3A_124 = %scan3A_60, %scan3A_125 = %scan3A_61, %scan3A_126 = %scan3A_62) -> (i32, i32, i32, i32, i32)  : i32 {
        %eq3A_127 = arith.constant 0 : i32
        %eq3A_128 = arith.cmpi eq, %scan3A_121, %eq3A_127 : i32
        %eq3A_129 = arith.constant 7 : i32
        %eq3A_130 = arith.cmpi eq, %scan3A_121, %eq3A_129 : i32
        %add3A_131 = arith.addi %scan3A_126, %mul3A_6 : i32
        %sub3A_132 = arith.constant 1 : i32
        %sub3A_133 = arith.subi %scan3A_126, %sub3A_132 : i32
        %select_n3A_134 = arith.constant true
        %select_n3A_135 = arith.select %select_n3A_134, %sub3A_133, %scan3A_126 : i32
        %eq3A_136 = arith.constant -1 : i32
        %eq3A_137 = arith.cmpi eq, %select_n3A_135, %eq3A_136 : i32
        %select_n3A_138 = arith.constant 7 : i32
        %select_n3A_139 = arith.select %eq3A_137, %select_n3A_138, %select_n3A_135 : i32
        %add3A_140 = arith.addi %select_n3A_139, %mul3A_6 : i32
        %add3A_141 = arith.constant 1 : i32
        %add3A_142 = arith.addi %scan3A_126, %add3A_141 : i32
        %select_n3A_143 = arith.constant true
        %select_n3A_144 = arith.select %select_n3A_143, %add3A_142, %scan3A_126 : i32
        %eq3A_145 = arith.constant 8 : i32
        %eq3A_146 = arith.cmpi eq, %select_n3A_144, %eq3A_145 : i32
        %select_n3A_147 = arith.constant 0 : i32
        %select_n3A_148 = arith.select %eq3A_146, %select_n3A_147, %select_n3A_144 : i32
        %add3A_149 = arith.addi %select_n3A_148, %mul3A_6 : i32
        %add3A_150 = arith.constant 1 : i32
        %add3A_151 = arith.addi %select_n3A_148, %add3A_150 : i32
        %select_n3A_152 = arith.constant true
        %select_n3A_153 = arith.select %select_n3A_152, %add3A_151, %select_n3A_148 : i32
        %eq3A_154 = arith.constant 8 : i32
        %eq3A_155 = arith.cmpi eq, %select_n3A_153, %eq3A_154 : i32
        %select_n3A_156 = arith.constant 0 : i32
        %select_n3A_157 = arith.select %eq3A_155, %select_n3A_156, %select_n3A_153 : i32
        %add3A_158 = arith.addi %select_n3A_157, %mul3A_6 : i32
        %ne3A = arith.cmpi ne, %add3A_131, %add3A_149 : i32
        %or3A = arith.constant false
        %or3A_159 = arith.ori %or3A, %ne3A : i1
        %ge3A = arith.constant 7 : i32
        %ge3A_160 = arith.cmpi sge, %scan3A_121, %ge3A : i32
        %not3A = arith.constant true
        %not3A_161 = arith.xori %ge3A_160, %not3A : i1
        %and3A = arith.andi %or3A_159, %not3A_161 : i1
        %convert_element_type3A = arith.extui %and3A : i1 to i32
        %cond3A = arith.constant 0 : i32
        %cond3A_162 = arith.cmpi ne, %convert_element_type3A, %cond3A : i32
        scf.if %cond3A_162 {
          "tpu.trace_start"() <{level = 10 : i32, message = "ep_copy_in"}> : () -> ()
          %rem3A_264 = arith.constant 2 : i32
          %rem3A_265 = arith.remui %scan3A_122, %rem3A_264 : i32
          %mul3A_266 = arith.constant 128 : i32
          %mul3A_267 = arith.muli %mul3A_266, %add3A_149 : i32
          %dma_start3A_268 = arith.constant 0 : i32
          %dma_start3A_269 = arith.constant 0 : i32
          %dma_start3A_270 = tpu.memref_slice %run_scoped3A[%rem3A_265, %dma_start3A_268, %dma_start3A_269] : memref<2x1x128xi32, #tpu.memory_space<vmem>> -> memref<1x1x128xi32, #tpu.memory_space<vmem>>
          %dma_start3A_271 = tpu.memref_squeeze %dma_start3A_270 : memref<1x1x128xi32, #tpu.memory_space<vmem>> -> memref<1x128xi32, #tpu.memory_space<vmem>>
          %dma_start3A_272 = arith.constant 0 : i32
          %dma_start3A_273 = tpu.memref_slice %arg3[%dma_start3A_272, %mul3A_267] : memref<1x32768xi32, #tpu.memory_space<hbm>> -> memref<1x128xi32, #tpu.memory_space<hbm>>
          %dma_start3A_274 = tpu.memref_slice %run_scoped3A_7[%rem3A_265] : memref<2x!tpu.dma_semaphore, #tpu.memory_space<semaphore_mem>> -> memref<1x!tpu.dma_semaphore, #tpu.memory_space<semaphore_mem>>
          %dma_start3A_275 = tpu.memref_squeeze %dma_start3A_274 : memref<1x!tpu.dma_semaphore, #tpu.memory_space<semaphore_mem>> -> memref<!tpu.dma_semaphore, #tpu.memory_space<semaphore_mem>>
          %dma_start3A_276 = arith.constant 0 : i32
          %dma_start3A_277 = arith.constant 0 : i32
          %dma_start3A_278 = tpu.memref_slice %run_scoped3A[%rem3A_265, %dma_start3A_276, %dma_start3A_277] : memref<2x1x128xi32, #tpu.memory_space<vmem>> -> memref<1x1x128xi32, #tpu.memory_space<vmem>>
          %dma_start3A_279 = tpu.memref_squeeze %dma_start3A_278 : memref<1x1x128xi32, #tpu.memory_space<vmem>> -> memref<1x128xi32, #tpu.memory_space<vmem>>
          %dma_start3A_280 = arith.constant 0 : i32
          %dma_start3A_281 = tpu.memref_slice %arg3[%dma_start3A_280, %mul3A_267] : memref<1x32768xi32, #tpu.memory_space<hbm>> -> memref<1x128xi32, #tpu.memory_space<hbm>>
          tpu.enqueue_dma source(%dma_start3A_281 : memref<1x128xi32, #tpu.memory_space<hbm>>) target(%dma_start3A_279 : memref<1x128xi32, #tpu.memory_space<vmem>>) target_semaphore(%dma_start3A_275 : memref<!tpu.dma_semaphore, #tpu.memory_space<semaphore_mem>>)
          "tpu.trace_stop"() : () -> ()
        } else {
        }
        %and3A_163 = arith.constant true
        %and3A_164 = arith.andi %and3A, %and3A_163 : i1
        %add3A_165 = arith.constant 1 : i32
        %add3A_166 = arith.addi %scan3A_122, %add3A_165 : i32
        %select_n3A_167 = arith.select %and3A_164, %add3A_166, %scan3A_122 : i32
        %ne3A_168 = arith.cmpi ne, %add3A_131, %add3A_149 : i32
        %or3A_169 = arith.constant false
        %or3A_170 = arith.ori %or3A_169, %ne3A_168 : i1
        %or3A_171 = arith.constant false
        %or3A_172 = arith.ori %or3A_170, %or3A_171 : i1
        %ge3A_173 = arith.constant 7 : i32
        %ge3A_174 = arith.cmpi sge, %scan3A_121, %ge3A_173 : i32
        %not3A_175 = arith.constant true
        %not3A_176 = arith.xori %ge3A_174, %not3A_175 : i1
        %and3A_177 = arith.andi %or3A_172, %not3A_176 : i1
        %ne3A_178 = arith.cmpi ne, %add3A_131, %add3A_140 : i32
        %or3A_179 = arith.constant false
        %or3A_180 = arith.ori %or3A_179, %ne3A_178 : i1
        %or3A_181 = arith.ori %or3A_180, %eq3A_128 : i1
        %convert_element_type3A_182 = arith.extui %or3A_181 : i1 to i32
        %cond3A_183 = arith.constant 0 : i32
        %cond3A_184 = arith.cmpi ne, %convert_element_type3A_182, %cond3A_183 : i32
        scf.if %cond3A_184 {
          "tpu.trace_start"() <{level = 10 : i32, message = "ep_wait_in"}> : () -> ()
          %mul3A_264 = arith.constant 128 : i32
          %mul3A_265 = arith.muli %mul3A_264, %add3A_131 : i32
          %rem3A_266 = arith.constant 2 : i32
          %rem3A_267 = arith.remui %scan3A_123, %rem3A_266 : i32
          %dma_wait3A_268 = arith.constant 0 : i32
          %dma_wait3A_269 = arith.constant 0 : i32
          %dma_wait3A_270 = tpu.memref_slice %run_scoped3A[%rem3A_267, %dma_wait3A_268, %dma_wait3A_269] : memref<2x1x128xi32, #tpu.memory_space<vmem>> -> memref<1x1x128xi32, #tpu.memory_space<vmem>>
          %dma_wait3A_271 = tpu.memref_squeeze %dma_wait3A_270 : memref<1x1x128xi32, #tpu.memory_space<vmem>> -> memref<1x128xi32, #tpu.memory_space<vmem>>
          %dma_wait3A_272 = arith.constant 0 : i32
          %dma_wait3A_273 = tpu.memref_slice %arg3[%dma_wait3A_272, %mul3A_265] : memref<1x32768xi32, #tpu.memory_space<hbm>> -> memref<1x128xi32, #tpu.memory_space<hbm>>
          %dma_wait3A_274 = tpu.memref_slice %run_scoped3A_7[%rem3A_267] : memref<2x!tpu.dma_semaphore, #tpu.memory_space<semaphore_mem>> -> memref<1x!tpu.dma_semaphore, #tpu.memory_space<semaphore_mem>>
          %dma_wait3A_275 = tpu.memref_squeeze %dma_wait3A_274 : memref<1x!tpu.dma_semaphore, #tpu.memory_space<semaphore_mem>> -> memref<!tpu.dma_semaphore, #tpu.memory_space<semaphore_mem>>
          %dma_wait3A_276 = arith.constant 0 : i32
          %dma_wait3A_277 = arith.constant 0 : i32
          %dma_wait3A_278 = tpu.memref_slice %run_scoped3A[%rem3A_267, %dma_wait3A_276, %dma_wait3A_277] : memref<2x1x128xi32, #tpu.memory_space<vmem>> -> memref<1x1x128xi32, #tpu.memory_space<vmem>>
          %dma_wait3A_279 = tpu.memref_squeeze %dma_wait3A_278 : memref<1x1x128xi32, #tpu.memory_space<vmem>> -> memref<1x128xi32, #tpu.memory_space<vmem>>
          %dma_wait3A_280 = arith.constant 0 : i32
          %dma_wait3A_281 = tpu.memref_slice %arg3[%dma_wait3A_280, %mul3A_265] : memref<1x32768xi32, #tpu.memory_space<hbm>> -> memref<1x128xi32, #tpu.memory_space<hbm>>
          tpu.wait_dma2 semaphore(%dma_wait3A_275 : memref<!tpu.dma_semaphore, #tpu.memory_space<semaphore_mem>>) src(%dma_wait3A_281 : memref<1x128xi32, #tpu.memory_space<hbm>>) dst(%dma_wait3A_279 : memref<1x128xi32, #tpu.memory_space<vmem>>)
          "tpu.trace_stop"() : () -> ()
        } else {
        }
        %ne3A_185 = arith.cmpi ne, %add3A_131, %add3A_140 : i32
        %or3A_186 = arith.constant false
        %or3A_187 = arith.ori %or3A_186, %ne3A_185 : i1
        %or3A_188 = arith.constant false
        %or3A_189 = arith.ori %or3A_187, %or3A_188 : i1
        %or3A_190 = arith.ori %or3A_189, %eq3A_128 : i1
        %convert_element_type3A_191 = arith.extui %or3A_190 : i1 to i32
        %cond3A_192 = arith.constant 0 : i32
        %cond3A_193 = arith.cmpi ne, %convert_element_type3A_191, %cond3A_192 : i32
        scf.if %cond3A_193 {
        } else {
        }
        %rem3A_194 = arith.constant 2 : i32
        %rem3A_195 = arith.remui %scan3A_123, %rem3A_194 : i32
        %rem3A_196 = arith.constant 2 : i32
        %rem3A_197 = arith.remui %scan3A_124, %rem3A_196 : i32
        %run_scoped3A_198 = arith.constant 0 : i32
        "tpu.trace_start"() <{level = 10 : i32, message = "ep_run_kernel"}> : () -> ()
        "tpu.region"() ({
          %run_scoped3A_264 = tpu.sem_alloc : memref<!tpu.dma_semaphore, #tpu.memory_space<semaphore_mem>>
          %dma_start3A_265 = arith.constant 0 : i32
          %dma_start3A_266 = arith.constant 0 : i32
          %dma_start3A_267 = tpu.memref_slice %run_scoped3A_8[%rem3A_197, %dma_start3A_265, %dma_start3A_266] : memref<2x128x128xf32, #tpu.memory_space<vmem>> -> memref<1x128x128xf32, #tpu.memory_space<vmem>>
          %dma_start3A_268 = tpu.memref_squeeze %dma_start3A_267 : memref<1x128x128xf32, #tpu.memory_space<vmem>> -> memref<128x128xf32, #tpu.memory_space<vmem>>
          %dma_start3A_269 = arith.constant 0 : i32
          %dma_start3A_270 = arith.constant 0 : i32
          %dma_start3A_271 = tpu.memref_slice %run_scoped3A[%rem3A_195, %dma_start3A_269, %dma_start3A_270] : memref<2x1x128xi32, #tpu.memory_space<vmem>> -> memref<1x1x128xi32, #tpu.memory_space<vmem>>
          %dma_start3A_272 = tpu.memref_squeeze %dma_start3A_271 : memref<1x1x128xi32, #tpu.memory_space<vmem>> -> memref<1x128xi32, #tpu.memory_space<vmem>>
          %dma_start3A_273 = arith.constant 0 : i32
          %dma_start3A_274 = tpu.memref_slice %dma_start3A_272[%run_scoped3A_198, %dma_start3A_273] : memref<1x128xi32, #tpu.memory_space<vmem>> -> memref<1x128xi32, #tpu.memory_space<vmem>>
          %dma_start3A_275 = tpu.memref_squeeze %dma_start3A_274 : memref<1x128xi32, #tpu.memory_space<vmem>> -> memref<128xi32, #tpu.memory_space<vmem>>
          %dma_start3A_276 = arith.constant 0 : i32
          %dma_start3A_277 = arith.constant 0 : i32
          %dma_start3A_278 = tpu.memref_slice %arg2[%dma_start3A_276, %dma_start3A_277] : memref<8192x128xf32, #tpu.memory_space<hbm>> -> memref<8192x128xf32, #tpu.memory_space<hbm>>
          tpu.enqueue_indirect_dma source(%dma_start3A_278 : memref<8192x128xf32, #tpu.memory_space<hbm>>) target(%dma_start3A_268 : memref<128x128xf32, #tpu.memory_space<vmem>>) offsets(%dma_start3A_275 : memref<128xi32, #tpu.memory_space<vmem>>) semaphore(%run_scoped3A_264 : memref<!tpu.dma_semaphore, #tpu.memory_space<semaphore_mem>>)
          %dma_wait3A_279 = arith.constant 0 : i32
          %dma_wait3A_280 = arith.constant 0 : i32
          %dma_wait3A_281 = tpu.memref_slice %run_scoped3A_8[%rem3A_197, %dma_wait3A_279, %dma_wait3A_280] : memref<2x128x128xf32, #tpu.memory_space<vmem>> -> memref<1x128x128xf32, #tpu.memory_space<vmem>>
          %dma_wait3A_282 = tpu.memref_squeeze %dma_wait3A_281 : memref<1x128x128xf32, #tpu.memory_space<vmem>> -> memref<128x128xf32, #tpu.memory_space<vmem>>
          %dma_wait3A_283 = arith.constant 0 : i32
          %dma_wait3A_284 = arith.constant 0 : i32
          %dma_wait3A_285 = tpu.memref_slice %run_scoped3A[%rem3A_195, %dma_wait3A_283, %dma_wait3A_284] : memref<2x1x128xi32, #tpu.memory_space<vmem>> -> memref<1x1x128xi32, #tpu.memory_space<vmem>>
          %dma_wait3A_286 = tpu.memref_squeeze %dma_wait3A_285 : memref<1x1x128xi32, #tpu.memory_space<vmem>> -> memref<1x128xi32, #tpu.memory_space<vmem>>
          %dma_wait3A_287 = arith.constant 0 : i32
          %dma_wait3A_288 = tpu.memref_slice %dma_wait3A_286[%run_scoped3A_198, %dma_wait3A_287] : memref<1x128xi32, #tpu.memory_space<vmem>> -> memref<1x128xi32, #tpu.memory_space<vmem>>
          %dma_wait3A_289 = tpu.memref_squeeze %dma_wait3A_288 : memref<1x128xi32, #tpu.memory_space<vmem>> -> memref<128xi32, #tpu.memory_space<vmem>>
          %dma_wait3A_290 = arith.constant 0 : i32
          %dma_wait3A_291 = arith.constant 0 : i32
          %dma_wait3A_292 = tpu.memref_slice %arg2[%dma_wait3A_290, %dma_wait3A_291] : memref<8192x128xf32, #tpu.memory_space<hbm>> -> memref<8192x128xf32, #tpu.memory_space<hbm>>
          tpu.wait_indirect_dma semaphore(%run_scoped3A_264 : memref<!tpu.dma_semaphore, #tpu.memory_space<semaphore_mem>>) src(%dma_wait3A_292 : memref<8192x128xf32, #tpu.memory_space<hbm>>) dst(%dma_wait3A_282 : memref<128x128xf32, #tpu.memory_space<vmem>>)
          tpu.yield
        }) : () -> ()
        "tpu.trace_stop"() : () -> ()
        %ne3A_199 = arith.cmpi ne, %add3A_131, %add3A_149 : i32
        %or3A_200 = arith.constant false
        %or3A_201 = arith.ori %or3A_200, %ne3A_199 : i1
        %or3A_202 = arith.ori %or3A_201, %eq3A_130 : i1
        %convert_element_type3A_203 = arith.extui %or3A_202 : i1 to i32
        %cond3A_204 = arith.constant 0 : i32
        %cond3A_205 = arith.cmpi ne, %convert_element_type3A_203, %cond3A_204 : i32
        scf.if %cond3A_205 {
        } else {
        }
        %and3A_206 = arith.constant false
        %and3A_207 = arith.andi %or3A_202, %and3A_206 : i1
        %ne3A_208 = arith.cmpi ne, %add3A_131, %add3A_149 : i32
        %or3A_209 = arith.constant false
        %or3A_210 = arith.ori %or3A_209, %ne3A_208 : i1
        %or3A_211 = arith.constant false
        %or3A_212 = arith.ori %or3A_210, %or3A_211 : i1
        %or3A_213 = arith.ori %or3A_212, %eq3A_130 : i1
        %convert_element_type3A_214 = arith.extui %or3A_213 : i1 to i32
        %cond3A_215 = arith.constant 0 : i32
        %cond3A_216 = arith.cmpi ne, %convert_element_type3A_214, %cond3A_215 : i32
        scf.if %cond3A_216 {
          "tpu.trace_start"() <{level = 10 : i32, message = "ep_copy_out"}> : () -> ()
          %rem3A_264 = arith.constant 2 : i32
          %rem3A_265 = arith.remui %scan3A_124, %rem3A_264 : i32
          %mul3A_266 = arith.constant 128 : i32
          %mul3A_267 = arith.muli %mul3A_266, %add3A_131 : i32
          %dma_start3A_268 = arith.constant 0 : i32
          %dma_start3A_269 = arith.constant 0 : i32
          %dma_start3A_270 = tpu.memref_slice %run_scoped3A_8[%rem3A_265, %dma_start3A_268, %dma_start3A_269] : memref<2x128x128xf32, #tpu.memory_space<vmem>> -> memref<1x128x128xf32, #tpu.memory_space<vmem>>
          %dma_start3A_271 = tpu.memref_squeeze %dma_start3A_270 : memref<1x128x128xf32, #tpu.memory_space<vmem>> -> memref<128x128xf32, #tpu.memory_space<vmem>>
          %dma_start3A_272 = arith.constant 0 : i32
          %dma_start3A_273 = tpu.memref_slice %arg4[%mul3A_267, %dma_start3A_272] : memref<32768x128xf32, #tpu.memory_space<hbm>> -> memref<128x128xf32, #tpu.memory_space<hbm>>
          %dma_start3A_274 = tpu.memref_slice %run_scoped3A_9[%rem3A_265] : memref<2x!tpu.dma_semaphore, #tpu.memory_space<semaphore_mem>> -> memref<1x!tpu.dma_semaphore, #tpu.memory_space<semaphore_mem>>
          %dma_start3A_275 = tpu.memref_squeeze %dma_start3A_274 : memref<1x!tpu.dma_semaphore, #tpu.memory_space<semaphore_mem>> -> memref<!tpu.dma_semaphore, #tpu.memory_space<semaphore_mem>>
          %dma_start3A_276 = arith.constant 0 : i32
          %dma_start3A_277 = tpu.memref_slice %arg4[%mul3A_267, %dma_start3A_276] : memref<32768x128xf32, #tpu.memory_space<hbm>> -> memref<128x128xf32, #tpu.memory_space<hbm>>
          %dma_start3A_278 = arith.constant 0 : i32
          %dma_start3A_279 = arith.constant 0 : i32
          %dma_start3A_280 = tpu.memref_slice %run_scoped3A_8[%rem3A_265, %dma_start3A_278, %dma_start3A_279] : memref<2x128x128xf32, #tpu.memory_space<vmem>> -> memref<1x128x128xf32, #tpu.memory_space<vmem>>
          %dma_start3A_281 = tpu.memref_squeeze %dma_start3A_280 : memref<1x128x128xf32, #tpu.memory_space<vmem>> -> memref<128x128xf32, #tpu.memory_space<vmem>>
          tpu.enqueue_dma source(%dma_start3A_281 : memref<128x128xf32, #tpu.memory_space<vmem>>) target(%dma_start3A_277 : memref<128x128xf32, #tpu.memory_space<hbm>>) target_semaphore(%dma_start3A_275 : memref<!tpu.dma_semaphore, #tpu.memory_space<semaphore_mem>>)
          "tpu.trace_stop"() : () -> ()
        } else {
        }
        %and3A_217 = arith.constant true
        %and3A_218 = arith.andi %or3A_213, %and3A_217 : i1
        %add3A_219 = arith.constant 1 : i32
        %add3A_220 = arith.addi %scan3A_124, %add3A_219 : i32
        %select_n3A_221 = arith.select %and3A_218, %add3A_220, %scan3A_124 : i32
        %ne3A_222 = arith.cmpi ne, %add3A_131, %add3A_140 : i32
        %or3A_223 = arith.constant false
        %or3A_224 = arith.ori %or3A_223, %ne3A_222 : i1
        %not3A_225 = arith.constant true
        %not3A_226 = arith.xori %eq3A_128, %not3A_225 : i1
        %and3A_227 = arith.andi %or3A_224, %not3A_226 : i1
        %convert_element_type3A_228 = arith.extui %and3A_227 : i1 to i32
        %cond3A_229 = arith.constant 0 : i32
        %cond3A_230 = arith.cmpi ne, %convert_element_type3A_228, %cond3A_229 : i32
        scf.if %cond3A_230 {
        } else {
        }
        %and3A_231 = arith.constant false
        %and3A_232 = arith.andi %and3A_227, %and3A_231 : i1
        %ne3A_233 = arith.cmpi ne, %add3A_131, %add3A_140 : i32
        %or3A_234 = arith.constant false
        %or3A_235 = arith.ori %or3A_234, %ne3A_233 : i1
        %or3A_236 = arith.constant false
        %or3A_237 = arith.ori %or3A_235, %or3A_236 : i1
        %not3A_238 = arith.constant true
        %not3A_239 = arith.xori %eq3A_128, %not3A_238 : i1
        %and3A_240 = arith.andi %or3A_237, %not3A_239 : i1
        %convert_element_type3A_241 = arith.extui %and3A_240 : i1 to i32
        %cond3A_242 = arith.constant 0 : i32
        %cond3A_243 = arith.cmpi ne, %convert_element_type3A_241, %cond3A_242 : i32
        scf.if %cond3A_243 {
          "tpu.trace_start"() <{level = 10 : i32, message = "ep_wait_out"}> : () -> ()
          %rem3A_264 = arith.constant 2 : i32
          %rem3A_265 = arith.remui %scan3A_125, %rem3A_264 : i32
          %mul3A_266 = arith.constant 128 : i32
          %mul3A_267 = arith.muli %mul3A_266, %add3A_140 : i32
          %dma_wait3A_268 = arith.constant 0 : i32
          %dma_wait3A_269 = arith.constant 0 : i32
          %dma_wait3A_270 = tpu.memref_slice %run_scoped3A_8[%rem3A_265, %dma_wait3A_268, %dma_wait3A_269] : memref<2x128x128xf32, #tpu.memory_space<vmem>> -> memref<1x128x128xf32, #tpu.memory_space<vmem>>
          %dma_wait3A_271 = tpu.memref_squeeze %dma_wait3A_270 : memref<1x128x128xf32, #tpu.memory_space<vmem>> -> memref<128x128xf32, #tpu.memory_space<vmem>>
          %dma_wait3A_272 = arith.constant 0 : i32
          %dma_wait3A_273 = tpu.memref_slice %arg4[%mul3A_267, %dma_wait3A_272] : memref<32768x128xf32, #tpu.memory_space<hbm>> -> memref<128x128xf32, #tpu.memory_space<hbm>>
          %dma_wait3A_274 = tpu.memref_slice %run_scoped3A_9[%rem3A_265] : memref<2x!tpu.dma_semaphore, #tpu.memory_space<semaphore_mem>> -> memref<1x!tpu.dma_semaphore, #tpu.memory_space<semaphore_mem>>
          %dma_wait3A_275 = tpu.memref_squeeze %dma_wait3A_274 : memref<1x!tpu.dma_semaphore, #tpu.memory_space<semaphore_mem>> -> memref<!tpu.dma_semaphore, #tpu.memory_space<semaphore_mem>>
          %dma_wait3A_276 = arith.constant 0 : i32
          %dma_wait3A_277 = tpu.memref_slice %arg4[%mul3A_267, %dma_wait3A_276] : memref<32768x128xf32, #tpu.memory_space<hbm>> -> memref<128x128xf32, #tpu.memory_space<hbm>>
          %dma_wait3A_278 = arith.constant 0 : i32
          %dma_wait3A_279 = arith.constant 0 : i32
          %dma_wait3A_280 = tpu.memref_slice %run_scoped3A_8[%rem3A_265, %dma_wait3A_278, %dma_wait3A_279] : memref<2x128x128xf32, #tpu.memory_space<vmem>> -> memref<1x128x128xf32, #tpu.memory_space<vmem>>
          %dma_wait3A_281 = tpu.memref_squeeze %dma_wait3A_280 : memref<1x128x128xf32, #tpu.memory_space<vmem>> -> memref<128x128xf32, #tpu.memory_space<vmem>>
          tpu.wait_dma2 semaphore(%dma_wait3A_275 : memref<!tpu.dma_semaphore, #tpu.memory_space<semaphore_mem>>) src(%dma_wait3A_281 : memref<128x128xf32, #tpu.memory_space<vmem>>) dst(%dma_wait3A_277 : memref<128x128xf32, #tpu.memory_space<hbm>>)
          "tpu.trace_stop"() : () -> ()
        } else {
        }
        %and3A_244 = arith.constant true
        %and3A_245 = arith.andi %and3A_240, %and3A_244 : i1
        %add3A_246 = arith.constant 1 : i32
        %add3A_247 = arith.addi %scan3A_125, %add3A_246 : i32
        %select_n3A_248 = arith.select %and3A_245, %add3A_247, %scan3A_125 : i32
        %ne3A_249 = arith.cmpi ne, %add3A_131, %add3A_149 : i32
        %or3A_250 = arith.constant false
        %or3A_251 = arith.ori %or3A_250, %ne3A_249 : i1
        %or3A_252 = arith.ori %or3A_251, %eq3A_130 : i1
        %add3A_253 = arith.constant 1 : i32
        %add3A_254 = arith.addi %scan3A_123, %add3A_253 : i32
        %select_n3A_255 = arith.select %or3A_252, %add3A_254, %scan3A_123 : i32
        %add3A_256 = arith.constant 1 : i32
        %add3A_257 = arith.addi %scan3A_126, %add3A_256 : i32
        %select_n3A_258 = arith.constant true
        %select_n3A_259 = arith.select %select_n3A_258, %add3A_257, %scan3A_126 : i32
        %eq3A_260 = arith.constant 8 : i32
        %eq3A_261 = arith.cmpi eq, %select_n3A_259, %eq3A_260 : i32
        %select_n3A_262 = arith.constant 0 : i32
        %select_n3A_263 = arith.select %eq3A_261, %select_n3A_262, %select_n3A_259 : i32
        scf.yield %select_n3A_167, %select_n3A_255, %select_n3A_221, %select_n3A_248, %select_n3A_263 : i32, i32, i32, i32, i32
      }
      %scan3A_68 = arith.constant 8 : i32
      %sub3A = arith.constant 1 : i32
      %sub3A_69 = arith.subi %scan3A_67#4, %sub3A : i32
      %select_n3A_70 = arith.constant true
      %select_n3A_71 = arith.select %select_n3A_70, %sub3A_69, %scan3A_67#4 : i32
      %eq3A_72 = arith.constant -1 : i32
      %eq3A_73 = arith.cmpi eq, %select_n3A_71, %eq3A_72 : i32
      %select_n3A_74 = arith.constant 7 : i32
      %select_n3A_75 = arith.select %eq3A_73, %select_n3A_74, %select_n3A_71 : i32
      %add3A_76 = arith.addi %select_n3A_75, %mul3A_6 : i32
      %sub3A_77 = arith.constant 1 : i32
      %sub3A_78 = arith.subi %select_n3A_75, %sub3A_77 : i32
      %select_n3A_79 = arith.constant true
      %select_n3A_80 = arith.select %select_n3A_79, %sub3A_78, %select_n3A_75 : i32
      %eq3A_81 = arith.constant -1 : i32
      %eq3A_82 = arith.cmpi eq, %select_n3A_80, %eq3A_81 : i32
      %select_n3A_83 = arith.constant 7 : i32
      %select_n3A_84 = arith.select %eq3A_82, %select_n3A_83, %select_n3A_80 : i32
      %add3A_85 = arith.addi %select_n3A_84, %mul3A_6 : i32
      %add3A_86 = arith.constant 1 : i32
      %add3A_87 = arith.addi %select_n3A_75, %add3A_86 : i32
      %select_n3A_88 = arith.constant true
      %select_n3A_89 = arith.select %select_n3A_88, %add3A_87, %select_n3A_75 : i32
      %eq3A_90 = arith.constant 8 : i32
      %eq3A_91 = arith.cmpi eq, %select_n3A_89, %eq3A_90 : i32
      %select_n3A_92 = arith.constant 0 : i32
      %select_n3A_93 = arith.select %eq3A_91, %select_n3A_92, %select_n3A_89 : i32
      %add3A_94 = arith.addi %select_n3A_93, %mul3A_6 : i32
      %add3A_95 = arith.constant 1 : i32
      %add3A_96 = arith.addi %select_n3A_93, %add3A_95 : i32
      %select_n3A_97 = arith.constant true
      %select_n3A_98 = arith.select %select_n3A_97, %add3A_96, %select_n3A_93 : i32
      %eq3A_99 = arith.constant 8 : i32
      %eq3A_100 = arith.cmpi eq, %select_n3A_98, %eq3A_99 : i32
      %select_n3A_101 = arith.constant 0 : i32
      %select_n3A_102 = arith.select %eq3A_100, %select_n3A_101, %select_n3A_98 : i32
      %add3A_103 = arith.addi %select_n3A_102, %mul3A_6 : i32
      "tpu.trace_start"() <{level = 10 : i32, message = "ep_finalize"}> : () -> ()
      %rem3A_104 = arith.constant 2 : i32
      %rem3A_105 = arith.remui %scan3A_67#3, %rem3A_104 : i32
      %mul3A_106 = arith.constant 128 : i32
      %mul3A_107 = arith.muli %mul3A_106, %add3A_76 : i32
      %dma_wait3A = arith.constant 0 : i32
      %dma_wait3A_108 = arith.constant 0 : i32
      %dma_wait3A_109 = tpu.memref_slice %run_scoped3A_8[%rem3A_105, %dma_wait3A, %dma_wait3A_108] : memref<2x128x128xf32, #tpu.memory_space<vmem>> -> memref<1x128x128xf32, #tpu.memory_space<vmem>>
      %dma_wait3A_110 = tpu.memref_squeeze %dma_wait3A_109 : memref<1x128x128xf32, #tpu.memory_space<vmem>> -> memref<128x128xf32, #tpu.memory_space<vmem>>
      %dma_wait3A_111 = arith.constant 0 : i32
      %dma_wait3A_112 = tpu.memref_slice %arg4[%mul3A_107, %dma_wait3A_111] : memref<32768x128xf32, #tpu.memory_space<hbm>> -> memref<128x128xf32, #tpu.memory_space<hbm>>
      %dma_wait3A_113 = tpu.memref_slice %run_scoped3A_9[%rem3A_105] : memref<2x!tpu.dma_semaphore, #tpu.memory_space<semaphore_mem>> -> memref<1x!tpu.dma_semaphore, #tpu.memory_space<semaphore_mem>>
      %dma_wait3A_114 = tpu.memref_squeeze %dma_wait3A_113 : memref<1x!tpu.dma_semaphore, #tpu.memory_space<semaphore_mem>> -> memref<!tpu.dma_semaphore, #tpu.memory_space<semaphore_mem>>
      %dma_wait3A_115 = arith.constant 0 : i32
      %dma_wait3A_116 = tpu.memref_slice %arg4[%mul3A_107, %dma_wait3A_115] : memref<32768x128xf32, #tpu.memory_space<hbm>> -> memref<128x128xf32, #tpu.memory_space<hbm>>
      %dma_wait3A_117 = arith.constant 0 : i32
      %dma_wait3A_118 = arith.constant 0 : i32
      %dma_wait3A_119 = tpu.memref_slice %run_scoped3A_8[%rem3A_105, %dma_wait3A_117, %dma_wait3A_118] : memref<2x128x128xf32, #tpu.memory_space<vmem>> -> memref<1x128x128xf32, #tpu.memory_space<vmem>>
      %dma_wait3A_120 = tpu.memref_squeeze %dma_wait3A_119 : memref<1x128x128xf32, #tpu.memory_space<vmem>> -> memref<128x128xf32, #tpu.memory_space<vmem>>
      tpu.wait_dma2 semaphore(%dma_wait3A_114 : memref<!tpu.dma_semaphore, #tpu.memory_space<semaphore_mem>>) src(%dma_wait3A_120 : memref<128x128xf32, #tpu.memory_space<vmem>>) dst(%dma_wait3A_116 : memref<128x128xf32, #tpu.memory_space<hbm>>)
      "tpu.trace_stop"() : () -> ()
      tpu.yield
    }) : () -> ()
    return
  }
}

module attributes {stable_mosaic.version = 14 : i64} {
  func.func @_argmin_body(%arg0: i32, %arg1: memref<512x32xf32, #tpu.memory_space<vmem>>, %arg2: memref<32x8192xf32, #tpu.memory_space<vmem>>, %arg3: memref<512x1xf32, #tpu.memory_space<vmem>>, %arg4: memref<1x8192xf32, #tpu.memory_space<vmem>>, %arg5: memref<512x1xi32, #tpu.memory_space<vmem>>, %arg6: memref<1x1xf32, #tpu.memory_space<vmem>>, %arg7: memref<1x8192xf32, #tpu.memory_space<vmem>>) attributes {dimension_semantics = [#tpu.dimension_semantics<arbitrary>], iteration_bounds = array<i64: 64>, scalar_prefetch = 0 : i64, scratch_operands = 1 : i64, tpu.core_type = #tpu.core_type<tc>, window_params = [{transform_indices = @transform_0, window_bounds = array<i64: 512, 32>}, {pipeline_mode = #tpu.pipeline_mode<synchronous>, transform_indices = @transform_1, window_bounds = array<i64: 32, 8192>}, {transform_indices = @transform_2, window_bounds = array<i64: 512, 1>}, {pipeline_mode = #tpu.pipeline_mode<synchronous>, transform_indices = @transform_3, window_bounds = array<i64: 1, 8192>}, {transform_indices = @transform_4, window_bounds = array<i64: 512, 1>}, {pipeline_mode = #tpu.pipeline_mode<synchronous>, transform_indices = @transform_5, window_bounds = array<i64: 1, 1>}]} {
    %eq3A = arith.constant 0 : i32
    %eq3A_0 = arith.cmpi eq, %arg0, %eq3A : i32
    %convert_element_type3A = arith.extui %eq3A_0 : i1 to i32
    %cond3A = arith.constant 0 : i32
    %cond3A_1 = arith.cmpi ne, %convert_element_type3A, %cond3A : i32
    scf.if %cond3A_1 {
      %broadcast_in_dim3A_219 = arith.constant 0.000000e+00 : f32
      %broadcast_in_dim3A_220 = vector.broadcast %broadcast_in_dim3A_219 : f32 to vector<1x8192xf32>
      %swap3A_221 = arith.constant 0 : index
      %swap3A_222 = arith.constant 0 : index
      %swap3A_223 = vector.load %arg7[%swap3A_221, %swap3A_222] : memref<1x8192xf32, #tpu.memory_space<vmem>>, vector<1x8192xf32>
      tpu.vector_store %arg7[%swap3A_221, %swap3A_222], %broadcast_in_dim3A_220 {strides = array<i32>} : memref<1x8192xf32, #tpu.memory_space<vmem>>, vector<1x8192xf32>,
    } else {
    }
    %get3A = arith.constant 0 : index
    %get3A_2 = arith.constant 0 : index
    %get3A_3 = vector.load %arg1[%get3A, %get3A_2] : memref<512x32xf32, #tpu.memory_space<vmem>>, vector<512x32xf32>
    %convert_element_type3A_4 = arith.truncf %get3A_3 : vector<512x32xf32> to vector<512x32xbf16>
    %get3A_5 = arith.constant 0 : index
    %get3A_6 = arith.constant 0 : index
    %get3A_7 = vector.load %arg3[%get3A_5, %get3A_6] : memref<512x1xf32, #tpu.memory_space<vmem>>, vector<512x1xf32>
    %iota3A = tpu.iota {dimensions = array<i32: 1>} : vector<1x2048xi32>
    %broadcast_in_dim3A = arith.constant 0x7F800000 : f32
    %broadcast_in_dim3A_8 = vector.broadcast %broadcast_in_dim3A : f32 to vector<512x1xf32>
    %broadcast_in_dim3A_9 = arith.constant 0 : i32
    %broadcast_in_dim3A_10 = vector.broadcast %broadcast_in_dim3A_9 : i32 to vector<512x1xi32>
    %get3A_11 = arith.constant 0 : index
    %get3A_12 = arith.constant 0 : index
    %get3A_13 = vector.load %arg2[%get3A_11, %get3A_12] : memref<32x8192xf32, #tpu.memory_space<vmem>>, vector<32x2048xf32>
    %get3A_14 = arith.constant 0 : index
    %get3A_15 = arith.constant 0 : index
    %get3A_16 = vector.load %arg4[%get3A_14, %get3A_15] : memref<1x8192xf32, #tpu.memory_space<vmem>>, vector<1x2048xf32>
    %convert_element_type3A_17 = arith.truncf %get3A_13 : vector<32x2048xf32> to vector<32x2048xbf16>
    %dot_general3A = arith.constant dense<0.000000e+00> : vector<512x2048xf32>
    %dot_general3A_18 = tpu.matmul %convert_element_type3A_4, %convert_element_type3A_17, %dot_general3A {dimension_numbers = #tpu.dot_dimension_numbers<[1], [0], [0], [1], [0, 0, 1, 1], [], []>, transpose_lhs_hint = false} : vector<512x32xbf16>, vector<32x2048xbf16>, vector<512x2048xf32> -> vector<512x2048xf32>
    %add3A = vector.broadcast %get3A_7 : vector<512x1xf32> to vector<512x2048xf32>
    %add3A_19 = vector.broadcast %get3A_16 : vector<1x2048xf32> to vector<512x2048xf32>
    %add3A_20 = arith.addf %add3A, %add3A_19 : vector<512x2048xf32>
    %add3A_21 = arith.addf %add3A_20, %dot_general3A_18 : vector<512x2048xf32>
    %reduce_min3A = arith.constant dense<0x7F800000> : vector<512xf32>
    %reduce_min3A_22 = vector.multi_reduction <minimumf>, %add3A_21, %reduce_min3A [1] : vector<512x2048xf32> to vector<512xf32>
    %broadcast_in_dim3A_23 = vector.shape_cast %reduce_min3A_22 : vector<512xf32> to vector<512x1xf32>
    %eq3A_24 = vector.broadcast %broadcast_in_dim3A_23 : vector<512x1xf32> to vector<512x2048xf32>
    %eq3A_25 = arith.cmpf oeq, %add3A_21, %eq3A_24 : vector<512x2048xf32>
    %add3A_26 = arith.constant 0 : i32
    %add3A_27 = vector.broadcast %add3A_26 : i32 to vector<1x2048xi32>
    %add3A_28 = arith.addi %iota3A, %add3A_27 : vector<1x2048xi32>
    %jit3A = arith.constant 8192 : i32
    %broadcast_in_dim3A_29 = vector.shape_cast %add3A_28 : vector<1x2048xi32> to vector<1x2048xi32>
    %broadcast_in_dim3A_30 = vector.broadcast %broadcast_in_dim3A_29 : vector<1x2048xi32> to vector<512x2048xi32>
    %broadcast_in_dim3A_31 = vector.broadcast %jit3A : i32 to vector<512x2048xi32>
    %select_n3A = arith.select %eq3A_25, %broadcast_in_dim3A_30, %broadcast_in_dim3A_31 : vector<512x2048xi1>, vector<512x2048xi32>
    %reduce_min3A_32 = arith.constant dense<2147483647> : vector<512xi32>
    %reduce_min3A_33 = vector.multi_reduction <minsi>, %select_n3A, %reduce_min3A_32 [1] : vector<512x2048xi32> to vector<512xi32>
    %broadcast_in_dim3A_34 = vector.shape_cast %reduce_min3A_33 : vector<512xi32> to vector<512x1xi32>
    %lt3A = arith.cmpf olt, %broadcast_in_dim3A_23, %broadcast_in_dim3A_8 : vector<512x1xf32>
    %select_n3A_35 = arith.select %lt3A, %broadcast_in_dim3A_23, %broadcast_in_dim3A_8 : vector<512x1xi1>, vector<512x1xf32>
    %select_n3A_36 = arith.select %lt3A, %broadcast_in_dim3A_34, %broadcast_in_dim3A_10 : vector<512x1xi1>, vector<512x1xi32>
    %get3A_37 = arith.constant 0 : index
    %get3A_38 = arith.constant 2048 : index
    %get3A_39 = vector.load %arg2[%get3A_37, %get3A_38] : memref<32x8192xf32, #tpu.memory_space<vmem>>, vector<32x2048xf32>
    %get3A_40 = arith.constant 0 : index
    %get3A_41 = arith.constant 2048 : index
    %get3A_42 = vector.load %arg4[%get3A_40, %get3A_41] : memref<1x8192xf32, #tpu.memory_space<vmem>>, vector<1x2048xf32>
    %convert_element_type3A_43 = arith.truncf %get3A_39 : vector<32x2048xf32> to vector<32x2048xbf16>
    %dot_general3A_44 = arith.constant dense<0.000000e+00> : vector<512x2048xf32>
    %dot_general3A_45 = tpu.matmul %convert_element_type3A_4, %convert_element_type3A_43, %dot_general3A_44 {dimension_numbers = #tpu.dot_dimension_numbers<[1], [0], [0], [1], [0, 0, 1, 1], [], []>, transpose_lhs_hint = false} : vector<512x32xbf16>, vector<32x2048xbf16>, vector<512x2048xf32> -> vector<512x2048xf32>
    %add3A_46 = vector.broadcast %get3A_7 : vector<512x1xf32> to vector<512x2048xf32>
    %add3A_47 = vector.broadcast %get3A_42 : vector<1x2048xf32> to vector<512x2048xf32>
    %add3A_48 = arith.addf %add3A_46, %add3A_47 : vector<512x2048xf32>
    %add3A_49 = arith.addf %add3A_48, %dot_general3A_45 : vector<512x2048xf32>
    %reduce_min3A_50 = arith.constant dense<0x7F800000> : vector<512xf32>
    %reduce_min3A_51 = vector.multi_reduction <minimumf>, %add3A_49, %reduce_min3A_50 [1] : vector<512x2048xf32> to vector<512xf32>
    %broadcast_in_dim3A_52 = vector.shape_cast %reduce_min3A_51 : vector<512xf32> to vector<512x1xf32>
    %eq3A_53 = vector.broadcast %broadcast_in_dim3A_52 : vector<512x1xf32> to vector<512x2048xf32>
    %eq3A_54 = arith.cmpf oeq, %add3A_49, %eq3A_53 : vector<512x2048xf32>
    %add3A_55 = arith.constant 2048 : i32
    %add3A_56 = vector.broadcast %add3A_55 : i32 to vector<1x2048xi32>
    %add3A_57 = arith.addi %iota3A, %add3A_56 : vector<1x2048xi32>
    %jit3A_58 = arith.constant 8192 : i32
    %broadcast_in_dim3A_59 = vector.shape_cast %add3A_57 : vector<1x2048xi32> to vector<1x2048xi32>
    %broadcast_in_dim3A_60 = vector.broadcast %broadcast_in_dim3A_59 : vector<1x2048xi32> to vector<512x2048xi32>
    %broadcast_in_dim3A_61 = vector.broadcast %jit3A_58 : i32 to vector<512x2048xi32>
    %select_n3A_62 = arith.select %eq3A_54, %broadcast_in_dim3A_60, %broadcast_in_dim3A_61 : vector<512x2048xi1>, vector<512x2048xi32>
    %reduce_min3A_63 = arith.constant dense<2147483647> : vector<512xi32>
    %reduce_min3A_64 = vector.multi_reduction <minsi>, %select_n3A_62, %reduce_min3A_63 [1] : vector<512x2048xi32> to vector<512xi32>
    %broadcast_in_dim3A_65 = vector.shape_cast %reduce_min3A_64 : vector<512xi32> to vector<512x1xi32>
    %lt3A_66 = arith.cmpf olt, %broadcast_in_dim3A_52, %select_n3A_35 : vector<512x1xf32>
    %select_n3A_67 = arith.select %lt3A_66, %broadcast_in_dim3A_52, %select_n3A_35 : vector<512x1xi1>, vector<512x1xf32>
    %select_n3A_68 = arith.select %lt3A_66, %broadcast_in_dim3A_65, %select_n3A_36 : vector<512x1xi1>, vector<512x1xi32>
    %broadcast_in_dim3A_69 = arith.constant 0x7F800000 : f32
    %broadcast_in_dim3A_70 = vector.broadcast %broadcast_in_dim3A_69 : f32 to vector<512x1xf32>
    %broadcast_in_dim3A_71 = arith.constant 0 : i32
    %broadcast_in_dim3A_72 = vector.broadcast %broadcast_in_dim3A_71 : i32 to vector<512x1xi32>
    %get3A_73 = arith.constant 0 : index
    %get3A_74 = arith.constant 4096 : index
    %get3A_75 = vector.load %arg2[%get3A_73, %get3A_74] : memref<32x8192xf32, #tpu.memory_space<vmem>>, vector<32x2048xf32>
    %get3A_76 = arith.constant 0 : index
    %get3A_77 = arith.constant 4096 : index
    %get3A_78 = vector.load %arg4[%get3A_76, %get3A_77] : memref<1x8192xf32, #tpu.memory_space<vmem>>, vector<1x2048xf32>
    %convert_element_type3A_79 = arith.truncf %get3A_75 : vector<32x2048xf32> to vector<32x2048xbf16>
    %dot_general3A_80 = arith.constant dense<0.000000e+00> : vector<512x2048xf32>
    %dot_general3A_81 = tpu.matmul %convert_element_type3A_4, %convert_element_type3A_79, %dot_general3A_80 {dimension_numbers = #tpu.dot_dimension_numbers<[1], [0], [0], [1], [0, 0, 1, 1], [], []>, transpose_lhs_hint = false} : vector<512x32xbf16>, vector<32x2048xbf16>, vector<512x2048xf32> -> vector<512x2048xf32>
    %add3A_82 = vector.broadcast %get3A_7 : vector<512x1xf32> to vector<512x2048xf32>
    %add3A_83 = vector.broadcast %get3A_78 : vector<1x2048xf32> to vector<512x2048xf32>
    %add3A_84 = arith.addf %add3A_82, %add3A_83 : vector<512x2048xf32>
    %add3A_85 = arith.addf %add3A_84, %dot_general3A_81 : vector<512x2048xf32>
    %reduce_min3A_86 = arith.constant dense<0x7F800000> : vector<512xf32>
    %reduce_min3A_87 = vector.multi_reduction <minimumf>, %add3A_85, %reduce_min3A_86 [1] : vector<512x2048xf32> to vector<512xf32>
    %broadcast_in_dim3A_88 = vector.shape_cast %reduce_min3A_87 : vector<512xf32> to vector<512x1xf32>
    %eq3A_89 = vector.broadcast %broadcast_in_dim3A_88 : vector<512x1xf32> to vector<512x2048xf32>
    %eq3A_90 = arith.cmpf oeq, %add3A_85, %eq3A_89 : vector<512x2048xf32>
    %add3A_91 = arith.constant 4096 : i32
    %add3A_92 = vector.broadcast %add3A_91 : i32 to vector<1x2048xi32>
    %add3A_93 = arith.addi %iota3A, %add3A_92 : vector<1x2048xi32>
    %jit3A_94 = arith.constant 8192 : i32
    %broadcast_in_dim3A_95 = vector.shape_cast %add3A_93 : vector<1x2048xi32> to vector<1x2048xi32>
    %broadcast_in_dim3A_96 = vector.broadcast %broadcast_in_dim3A_95 : vector<1x2048xi32> to vector<512x2048xi32>
    %broadcast_in_dim3A_97 = vector.broadcast %jit3A_94 : i32 to vector<512x2048xi32>
    %select_n3A_98 = arith.select %eq3A_90, %broadcast_in_dim3A_96, %broadcast_in_dim3A_97 : vector<512x2048xi1>, vector<512x2048xi32>
    %reduce_min3A_99 = arith.constant dense<2147483647> : vector<512xi32>
    %reduce_min3A_100 = vector.multi_reduction <minsi>, %select_n3A_98, %reduce_min3A_99 [1] : vector<512x2048xi32> to vector<512xi32>
    %broadcast_in_dim3A_101 = vector.shape_cast %reduce_min3A_100 : vector<512xi32> to vector<512x1xi32>
    %lt3A_102 = arith.cmpf olt, %broadcast_in_dim3A_88, %broadcast_in_dim3A_70 : vector<512x1xf32>
    %select_n3A_103 = arith.select %lt3A_102, %broadcast_in_dim3A_88, %broadcast_in_dim3A_70 : vector<512x1xi1>, vector<512x1xf32>
    %select_n3A_104 = arith.select %lt3A_102, %broadcast_in_dim3A_101, %broadcast_in_dim3A_72 : vector<512x1xi1>, vector<512x1xi32>
    %get3A_105 = arith.constant 0 : index
    %get3A_106 = arith.constant 6144 : index
    %get3A_107 = vector.load %arg2[%get3A_105, %get3A_106] : memref<32x8192xf32, #tpu.memory_space<vmem>>, vector<32x2048xf32>
    %get3A_108 = arith.constant 0 : index
    %get3A_109 = arith.constant 6144 : index
    %get3A_110 = vector.load %arg4[%get3A_108, %get3A_109] : memref<1x8192xf32, #tpu.memory_space<vmem>>, vector<1x2048xf32>
    %convert_element_type3A_111 = arith.truncf %get3A_107 : vector<32x2048xf32> to vector<32x2048xbf16>
    %dot_general3A_112 = arith.constant dense<0.000000e+00> : vector<512x2048xf32>
    %dot_general3A_113 = tpu.matmul %convert_element_type3A_4, %convert_element_type3A_111, %dot_general3A_112 {dimension_numbers = #tpu.dot_dimension_numbers<[1], [0], [0], [1], [0, 0, 1, 1], [], []>, transpose_lhs_hint = false} : vector<512x32xbf16>, vector<32x2048xbf16>, vector<512x2048xf32> -> vector<512x2048xf32>
    %add3A_114 = vector.broadcast %get3A_7 : vector<512x1xf32> to vector<512x2048xf32>
    %add3A_115 = vector.broadcast %get3A_110 : vector<1x2048xf32> to vector<512x2048xf32>
    %add3A_116 = arith.addf %add3A_114, %add3A_115 : vector<512x2048xf32>
    %add3A_117 = arith.addf %add3A_116, %dot_general3A_113 : vector<512x2048xf32>
    %reduce_min3A_118 = arith.constant dense<0x7F800000> : vector<512xf32>
    %reduce_min3A_119 = vector.multi_reduction <minimumf>, %add3A_117, %reduce_min3A_118 [1] : vector<512x2048xf32> to vector<512xf32>
    %broadcast_in_dim3A_120 = vector.shape_cast %reduce_min3A_119 : vector<512xf32> to vector<512x1xf32>
    %eq3A_121 = vector.broadcast %broadcast_in_dim3A_120 : vector<512x1xf32> to vector<512x2048xf32>
    %eq3A_122 = arith.cmpf oeq, %add3A_117, %eq3A_121 : vector<512x2048xf32>
    %add3A_123 = arith.constant 6144 : i32
    %add3A_124 = vector.broadcast %add3A_123 : i32 to vector<1x2048xi32>
    %add3A_125 = arith.addi %iota3A, %add3A_124 : vector<1x2048xi32>
    %jit3A_126 = arith.constant 8192 : i32
    %broadcast_in_dim3A_127 = vector.shape_cast %add3A_125 : vector<1x2048xi32> to vector<1x2048xi32>
    %broadcast_in_dim3A_128 = vector.broadcast %broadcast_in_dim3A_127 : vector<1x2048xi32> to vector<512x2048xi32>
    %broadcast_in_dim3A_129 = vector.broadcast %jit3A_126 : i32 to vector<512x2048xi32>
    %select_n3A_130 = arith.select %eq3A_122, %broadcast_in_dim3A_128, %broadcast_in_dim3A_129 : vector<512x2048xi1>, vector<512x2048xi32>
    %reduce_min3A_131 = arith.constant dense<2147483647> : vector<512xi32>
    %reduce_min3A_132 = vector.multi_reduction <minsi>, %select_n3A_130, %reduce_min3A_131 [1] : vector<512x2048xi32> to vector<512xi32>
    %broadcast_in_dim3A_133 = vector.shape_cast %reduce_min3A_132 : vector<512xi32> to vector<512x1xi32>
    %lt3A_134 = arith.cmpf olt, %broadcast_in_dim3A_120, %select_n3A_103 : vector<512x1xf32>
    %select_n3A_135 = arith.select %lt3A_134, %broadcast_in_dim3A_120, %select_n3A_103 : vector<512x1xi1>, vector<512x1xf32>
    %select_n3A_136 = arith.select %lt3A_134, %broadcast_in_dim3A_133, %select_n3A_104 : vector<512x1xi1>, vector<512x1xi32>
    %convert_element_type3A_137 = arith.truncf %select_n3A_67 : vector<512x1xf32> to vector<512x1xbf16>
    %convert_element_type3A_138 = arith.extf %convert_element_type3A_137 : vector<512x1xbf16> to vector<512x1xf32>
    %lt3A_139 = arith.cmpf olt, %select_n3A_135, %convert_element_type3A_138 : vector<512x1xf32>
    %select_n3A_140 = arith.select %lt3A_139, %select_n3A_136, %select_n3A_68 : vector<512x1xi1>, vector<512x1xi32>
    %swap3A = arith.constant 0 : index
    %swap3A_141 = arith.constant 0 : index
    %swap3A_142 = vector.load %arg5[%swap3A, %swap3A_141] : memref<512x1xi32, #tpu.memory_space<vmem>>, vector<512x1xi32>
    tpu.vector_store %arg5[%swap3A, %swap3A_141], %select_n3A_140 {strides = array<i32>} : memref<512x1xi32, #tpu.memory_space<vmem>>, vector<512x1xi32>,
    %add3A_143 = arith.constant 0 : i32
    %add3A_144 = vector.broadcast %add3A_143 : i32 to vector<1x2048xi32>
    %add3A_145 = arith.addi %iota3A, %add3A_144 : vector<1x2048xi32>
    %eq3A_146 = vector.broadcast %select_n3A_140 : vector<512x1xi32> to vector<512x2048xi32>
    %eq3A_147 = vector.broadcast %add3A_145 : vector<1x2048xi32> to vector<512x2048xi32>
    %eq3A_148 = arith.cmpi eq, %eq3A_146, %eq3A_147 : vector<512x2048xi32>
    %convert_element_type3A_149 = arith.extui %eq3A_148 : vector<512x2048xi1> to vector<512x2048xi32>
    %convert_element_type3A_150 = arith.sitofp %convert_element_type3A_149 : vector<512x2048xi32> to vector<512x2048xf32>
    %get3A_151 = arith.constant 0 : index
    %get3A_152 = arith.constant 0 : index
    %get3A_153 = vector.load %arg7[%get3A_151, %get3A_152] : memref<1x8192xf32, #tpu.memory_space<vmem>>, vector<1x2048xf32>
    %reduce_sum3A = arith.constant dense<0.000000e+00> : vector<2048xf32>
    %reduce_sum3A_154 = vector.multi_reduction <add>, %convert_element_type3A_150, %reduce_sum3A [0] : vector<512x2048xf32> to vector<2048xf32>
    %broadcast_in_dim3A_155 = vector.shape_cast %reduce_sum3A_154 : vector<2048xf32> to vector<1x2048xf32>
    %add3A_156 = arith.addf %get3A_153, %broadcast_in_dim3A_155 : vector<1x2048xf32>
    %swap3A_157 = arith.constant 0 : index
    %swap3A_158 = arith.constant 0 : index
    %swap3A_159 = vector.load %arg7[%swap3A_157, %swap3A_158] : memref<1x8192xf32, #tpu.memory_space<vmem>>, vector<1x2048xf32>
    tpu.vector_store %arg7[%swap3A_157, %swap3A_158], %add3A_156 {strides = array<i32>} : memref<1x8192xf32, #tpu.memory_space<vmem>>, vector<1x2048xf32>,
    %add3A_160 = arith.constant 2048 : i32
    %add3A_161 = vector.broadcast %add3A_160 : i32 to vector<1x2048xi32>
    %add3A_162 = arith.addi %iota3A, %add3A_161 : vector<1x2048xi32>
    %eq3A_163 = vector.broadcast %select_n3A_140 : vector<512x1xi32> to vector<512x2048xi32>
    %eq3A_164 = vector.broadcast %add3A_162 : vector<1x2048xi32> to vector<512x2048xi32>
    %eq3A_165 = arith.cmpi eq, %eq3A_163, %eq3A_164 : vector<512x2048xi32>
    %convert_element_type3A_166 = arith.extui %eq3A_165 : vector<512x2048xi1> to vector<512x2048xi32>
    %convert_element_type3A_167 = arith.sitofp %convert_element_type3A_166 : vector<512x2048xi32> to vector<512x2048xf32>
    %get3A_168 = arith.constant 0 : index
    %get3A_169 = arith.constant 2048 : index
    %get3A_170 = vector.load %arg7[%get3A_168, %get3A_169] : memref<1x8192xf32, #tpu.memory_space<vmem>>, vector<1x2048xf32>
    %reduce_sum3A_171 = arith.constant dense<0.000000e+00> : vector<2048xf32>
    %reduce_sum3A_172 = vector.multi_reduction <add>, %convert_element_type3A_167, %reduce_sum3A_171 [0] : vector<512x2048xf32> to vector<2048xf32>
    %broadcast_in_dim3A_173 = vector.shape_cast %reduce_sum3A_172 : vector<2048xf32> to vector<1x2048xf32>
    %add3A_174 = arith.addf %get3A_170, %broadcast_in_dim3A_173 : vector<1x2048xf32>
    %swap3A_175 = arith.constant 0 : index
    %swap3A_176 = arith.constant 2048 : index
    %swap3A_177 = vector.load %arg7[%swap3A_175, %swap3A_176] : memref<1x8192xf32, #tpu.memory_space<vmem>>, vector<1x2048xf32>
    tpu.vector_store %arg7[%swap3A_175, %swap3A_176], %add3A_174 {strides = array<i32>} : memref<1x8192xf32, #tpu.memory_space<vmem>>, vector<1x2048xf32>,
    %add3A_178 = arith.constant 4096 : i32
    %add3A_179 = vector.broadcast %add3A_178 : i32 to vector<1x2048xi32>
    %add3A_180 = arith.addi %iota3A, %add3A_179 : vector<1x2048xi32>
    %eq3A_181 = vector.broadcast %select_n3A_140 : vector<512x1xi32> to vector<512x2048xi32>
    %eq3A_182 = vector.broadcast %add3A_180 : vector<1x2048xi32> to vector<512x2048xi32>
    %eq3A_183 = arith.cmpi eq, %eq3A_181, %eq3A_182 : vector<512x2048xi32>
    %convert_element_type3A_184 = arith.extui %eq3A_183 : vector<512x2048xi1> to vector<512x2048xi32>
    %convert_element_type3A_185 = arith.sitofp %convert_element_type3A_184 : vector<512x2048xi32> to vector<512x2048xf32>
    %get3A_186 = arith.constant 0 : index
    %get3A_187 = arith.constant 4096 : index
    %get3A_188 = vector.load %arg7[%get3A_186, %get3A_187] : memref<1x8192xf32, #tpu.memory_space<vmem>>, vector<1x2048xf32>
    %reduce_sum3A_189 = arith.constant dense<0.000000e+00> : vector<2048xf32>
    %reduce_sum3A_190 = vector.multi_reduction <add>, %convert_element_type3A_185, %reduce_sum3A_189 [0] : vector<512x2048xf32> to vector<2048xf32>
    %broadcast_in_dim3A_191 = vector.shape_cast %reduce_sum3A_190 : vector<2048xf32> to vector<1x2048xf32>
    %add3A_192 = arith.addf %get3A_188, %broadcast_in_dim3A_191 : vector<1x2048xf32>
    %swap3A_193 = arith.constant 0 : index
    %swap3A_194 = arith.constant 4096 : index
    %swap3A_195 = vector.load %arg7[%swap3A_193, %swap3A_194] : memref<1x8192xf32, #tpu.memory_space<vmem>>, vector<1x2048xf32>
    tpu.vector_store %arg7[%swap3A_193, %swap3A_194], %add3A_192 {strides = array<i32>} : memref<1x8192xf32, #tpu.memory_space<vmem>>, vector<1x2048xf32>,
    %add3A_196 = arith.constant 6144 : i32
    %add3A_197 = vector.broadcast %add3A_196 : i32 to vector<1x2048xi32>
    %add3A_198 = arith.addi %iota3A, %add3A_197 : vector<1x2048xi32>
    %eq3A_199 = vector.broadcast %select_n3A_140 : vector<512x1xi32> to vector<512x2048xi32>
    %eq3A_200 = vector.broadcast %add3A_198 : vector<1x2048xi32> to vector<512x2048xi32>
    %eq3A_201 = arith.cmpi eq, %eq3A_199, %eq3A_200 : vector<512x2048xi32>
    %convert_element_type3A_202 = arith.extui %eq3A_201 : vector<512x2048xi1> to vector<512x2048xi32>
    %convert_element_type3A_203 = arith.sitofp %convert_element_type3A_202 : vector<512x2048xi32> to vector<512x2048xf32>
    %get3A_204 = arith.constant 0 : index
    %get3A_205 = arith.constant 6144 : index
    %get3A_206 = vector.load %arg7[%get3A_204, %get3A_205] : memref<1x8192xf32, #tpu.memory_space<vmem>>, vector<1x2048xf32>
    %reduce_sum3A_207 = arith.constant dense<0.000000e+00> : vector<2048xf32>
    %reduce_sum3A_208 = vector.multi_reduction <add>, %convert_element_type3A_203, %reduce_sum3A_207 [0] : vector<512x2048xf32> to vector<2048xf32>
    %broadcast_in_dim3A_209 = vector.shape_cast %reduce_sum3A_208 : vector<2048xf32> to vector<1x2048xf32>
    %add3A_210 = arith.addf %get3A_206, %broadcast_in_dim3A_209 : vector<1x2048xf32>
    %swap3A_211 = arith.constant 0 : index
    %swap3A_212 = arith.constant 6144 : index
    %swap3A_213 = vector.load %arg7[%swap3A_211, %swap3A_212] : memref<1x8192xf32, #tpu.memory_space<vmem>>, vector<1x2048xf32>
    tpu.vector_store %arg7[%swap3A_211, %swap3A_212], %add3A_210 {strides = array<i32>} : memref<1x8192xf32, #tpu.memory_space<vmem>>, vector<1x2048xf32>,
    %eq3A_214 = arith.constant 63 : i32
    %eq3A_215 = arith.cmpi eq, %arg0, %eq3A_214 : i32
    %convert_element_type3A_216 = arith.extui %eq3A_215 : i1 to i32
    %cond3A_217 = arith.constant 0 : i32
    %cond3A_218 = arith.cmpi ne, %convert_element_type3A_216, %cond3A_217 : i32
    scf.if %cond3A_218 {
      %get3A_219 = arith.constant 0 : index
      %get3A_220 = arith.constant 0 : index
      %get3A_221 = vector.load %arg7[%get3A_219, %get3A_220] : memref<1x8192xf32, #tpu.memory_space<vmem>>, vector<1x8192xf32>
      %mul3A = arith.constant 3.05175781E-5 : f32
      %mul3A_222 = vector.broadcast %mul3A : f32 to vector<1x8192xf32>
      %mul3A_223 = arith.mulf %get3A_221, %mul3A_222 : vector<1x8192xf32>
      %add3A_224 = arith.constant 1.000000e-10 : f32
      %add3A_225 = vector.broadcast %add3A_224 : f32 to vector<1x8192xf32>
      %add3A_226 = arith.addf %mul3A_223, %add3A_225 : vector<1x8192xf32>
      %log3A = math.log %add3A_226 : vector<1x8192xf32>
      %mul3A_227 = arith.mulf %mul3A_223, %log3A : vector<1x8192xf32>
      %reduce_sum3A_228 = vector.shape_cast %mul3A_227 : vector<1x8192xf32> to vector<1x1x8192xf32>
      %reduce_sum3A_229 = arith.constant dense<0.000000e+00> : vector<1xf32>
      %reduce_sum3A_230 = vector.multi_reduction <add>, %reduce_sum3A_228, %reduce_sum3A_229 [1, 2] : vector<1x1x8192xf32> to vector<1xf32>
      %reduce_sum3A_231 = vector.shape_cast %reduce_sum3A_230 : vector<1xf32> to vector<1x1x1xf32>
      %reduce_sum3A_232 = vector.extract %reduce_sum3A_231[0, 0, 0] : f32 from vector<1x1x1xf32>
      %neg3A = arith.constant 0.000000e+00 : f32
      %neg3A_233 = arith.subf %neg3A, %reduce_sum3A_232 : f32
      %exp3A = math.exp %neg3A_233 : f32
      %reshape3A = vector.broadcast %exp3A : f32 to vector<1x1xf32>
      %swap3A_234 = arith.constant 0 : index
      %swap3A_235 = arith.constant 0 : index
      %swap3A_236 = vector.load %arg6[%swap3A_234, %swap3A_235] : memref<1x1xf32, #tpu.memory_space<vmem>>, vector<1x1xf32>
      tpu.vector_store %arg6[%swap3A_234, %swap3A_235], %reshape3A {strides = array<i32>} : memref<1x1xf32, #tpu.memory_space<vmem>>, vector<1x1xf32>,
    } else {
    }
    return
  }
  func.func @transform_0(%arg0: i32) -> (i32, i32) {
    %c0_i32 = arith.constant 0 : i32
    %c0_i32_0 = arith.constant 0 : i32
    return %arg0, %c0_i32 : i32, i32
  }
  func.func @transform_1(%arg0: i32) -> (i32, i32) {
    %c0_i32 = arith.constant 0 : i32
    %c0_i32_0 = arith.constant 0 : i32
    %c0_i32_1 = arith.constant 0 : i32
    return %c0_i32, %c0_i32_0 : i32, i32
  }
  func.func @transform_2(%arg0: i32) -> (i32, i32) {
    %c0_i32 = arith.constant 0 : i32
    %c0_i32_0 = arith.constant 0 : i32
    return %arg0, %c0_i32 : i32, i32
  }
  func.func @transform_3(%arg0: i32) -> (i32, i32) {
    %c0_i32 = arith.constant 0 : i32
    %c0_i32_0 = arith.constant 0 : i32
    %c0_i32_1 = arith.constant 0 : i32
    return %c0_i32, %c0_i32_0 : i32, i32
  }
  func.func @transform_4(%arg0: i32) -> (i32, i32) {
    %c0_i32 = arith.constant 0 : i32
    %c0_i32_0 = arith.constant 0 : i32
    return %arg0, %c0_i32 : i32, i32
  }
  func.func @transform_5(%arg0: i32) -> (i32, i32) {
    %c0_i32 = arith.constant 0 : i32
    %c0_i32_0 = arith.constant 0 : i32
    %c0_i32_1 = arith.constant 0 : i32
    return %c0_i32, %c0_i32_0 : i32, i32
  }
}

</mosaic_0001>

<sc_bundles>
// kernel: kernel.4.cloned.1.call-start
scs
__scs_entry_jumppad:
0x0: {  	(pc) =	sbr.rel $0x88, $3  }
0x1: {  	(tag) =	ssettag $0x0;
	lr =	simm.s32 $0x1  }
0x2: {  	[smem:$0x3F9F] =	sst lr;
	_ =	strace $0xD0000000  }
0x3: {  	_ = 	snop  }
0x4: {  	_ = 	snop  }
0x5: {  	_ = 	snop  }
0x6: {  	_ = 	snop  }
0x7: {  	_ = 	snop  }
__scs_overlays_trampoline_lowered:
0x8: {  	[smem:$0x3FAE] =	sst s0  }
0x9: {  	[smem:$0x3FAF] =	sst s1  }
0xa: {  	[smem:$0x3FB0] =	sst s2  }
0xb: {  	[smem:$0x3FB1] =	sst s3  }
0xc: {  	[smem:$0x3FB2] =	sst s4  }
0xd: {  	[smem:$0x3FB3] =	sst s5  }
0xe: {  	[smem:$0x3FB4] =	sst s6  }
0xf: {  	[smem:$0x3FB5] =	sst s7  }
0x10: {  	[smem:$0x3FB6] =	sst s8  }
0x11: {  	[smem:$0x3FB7] =	sst s9;
	s0 =	simm.s32 @!p0 $0x0  }
0x12: {  	s1 =	sld [smem:$0x3F9D];
	s0 =	simm.s32 @p0 $0x1  }
0x13: {  	[smem:$0x3FB8] =	sst s0;
	s0 =	simm.s32 @!p1 $0x0  }
0x14: {  	s2 =	sld [smem:$0x3F9C];
	s0 =	simm.s32 @p1 $0x1  }
0x15: {  	[smem:$0x3FB9] =	sst s0;
	s0 =	simm.s32 @!p2 $0x0  }
0x16: {  	s3 =	sld [smem:$0x3FDB];
	s0 =	simm.s32 @p2 $0x1  }
0x17: {  	s4 =	simm.s32 $0x1BF5;
	[smem:$0x3FBB] =	sst s0  }
0x18: {  	s0 =	sld [smem:$0x3F9E];
	_ =	swait.ge [sflag:s4], $0x0  }
0x19: {  	s7 =	sld [smem:$0x3F9F]  }
0x1a: {  	s8 =	sadd.s32 $0xFFFFE003, lr  }
0x1b: {  	s9 =	sadd.s32 $0xFFFFFEF7, lr;
	s5 =	simm.s32 $0xFFFFFFFF;
	p2 =	slt.u32 s8, $0xFFFFF086  }
0x1c: {  	p1 =	slt.u32 s9, $0xF7A;
	s5 =	simm.s32 @!p2 $0x0  }
0x1d: {  	s5 =	simm.s32 @p1 $0x1;
	p0 =	seq.s32 s7, s2  }
0x1e: {  	s7 =	smul.u32 @!p0 $0xF7A, s2;
	p2 =	seq.s32 @!p0 s5, $0x0  }
0x1f: {  	s9 =	smul.u32 $0xF7A, s1;
	s8 =	simm.s32 @!p0 $0x1BF5;
	p2 =	por !p2, p0  }
0x20: {  	[sflag:s8] =	ssyncset.s32 @!p0 $0xFFFFF086;
	s6 =	sadd.s32 @!p0 s3, s7;
	s7 =	simm.s32 @!p0 $0x108  }
0x21: {  	s3 =	sadd.s32 s3, s9;
	s6 =	sadd.s32 @!p0 $0x88, s6;
	s7 =	simm.s32 @p2 $0x1082  }
0x22: {  	[simem:s7], [sflag:s8] =	dma.local @!p0 [hbm:s6], $0xF7A  }
0x23: {  	s9 =	sor.u32 $0xD0000000, s2;
	s6 =	simm.s32 $0x108;
	_ =	swait.ge @!p0 [sflag:s8], $0x0  }
0x24: {  	s3 =	sadd.s32 $0x88, s3;
	s6 =	simm.s32 @!p1 $0x1082;
	[sflag:s4] =	ssyncset.s32 $0xFFFFF086  }
0x25: {  	[simem:s6], [sflag:s4] =	dma.local [hbm:s3], $0xF7A  }
0x26: {  	[smem:$0x3F9F] =	sst s1;
	(tag) =	ssettag s2;
	_ =	strace s9  }
0x27: {  	s1 =	sld [smem:$0x3FAF]  }
0x28: {  	s2 =	sld [smem:$0x3FB0]  }
0x29: {  	s4 =	sld [smem:$0x3FB2]  }
0x2a: {  	p0 =	seq.s32 s5, $0x0;
	s5 =	sld [smem:$0x3FB3]  }
0x2b: {  	s6 =	sld [smem:$0x3FB4]  }
0x2c: {  	s7 =	sld [smem:$0x3FB5]  }
0x2d: {  	s3 =	simm.s32 $0x108;
	s8 =	sld [smem:$0x3FB6]  }
0x2e: {  	s3 =	simm.s32 @!p0 $0x1082;
	s9 =	sld [smem:$0x3FB7]  }
0x2f: {  	lr =	sadd.s32 s0, s3;
	s0 =	sld [smem:$0x3FAE]  }
0x30: {  	s3 =	sld [smem:$0x3FB1]  }
0x31: {  	[smem:$0x3FBA] =	sst s10  }
0x32: {  	s10 =	sld [smem:$0x3FB8];
	_ =	sdelay $0x3  }
0x33: {  	p0 =	seq.s32 s10, $0x1;
	s10 =	sld [smem:$0x3FBA];
	_ =	sdelay $0x3  }
0x34: {  	[smem:$0x3FBA] =	sst s10  }
0x35: {  	s10 =	sld [smem:$0x3FB9];
	_ =	sdelay $0x3  }
0x36: {  	p1 =	seq.s32 s10, $0x1;
	s10 =	sld [smem:$0x3FBA];
	_ =	sdelay $0x3  }
0x37: {  	[smem:$0x3FBA] =	sst s10  }
0x38: {  	s10 =	sld [smem:$0x3FBB]  }
0x39: {  	_ = 	snop;
	(pc) =	sbr.ind lr, $3  }
0x3a: {  	_ = 	snop  }
0x3b: {  	_ = 	snop  }
0x3c: {  	p2 =	seq.s32 s10, $0x1;
	s10 =	sld [smem:$0x3FBA]  }
0x3d: {  	_ =	shalt  }
0x3e: {  	_ =	shalt  }
0x3f: {  	_ =	shalt  }
0x40: {  	_ =	shalt  }
0x41: {  	_ =	shalt  }
0x42: {  	_ =	shalt  }
0x43: {  	_ =	shalt  }
0x44: {  	_ =	shalt  }
0x45: {  	_ =	shalt  }
0x46: {  	_ =	shalt  }
0x47: {  	_ =	shalt  }
0x48: {  	_ =	shalt  }
0x49: {  	_ =	shalt  }
0x4a: {  	_ =	shalt  }
0x4b: {  	_ =	shalt  }
0x4c: {  	_ =	shalt  }
0x4d: {  	_ =	shalt  }
0x4e: {  	_ =	shalt  }
0x4f: {  	_ =	shalt  }
0x50: {  	_ =	shalt  }
0x51: {  	_ =	shalt  }
0x52: {  	_ =	shalt  }
0x53: {  	_ =	shalt  }
0x54: {  	_ =	shalt  }
0x55: {  	_ =	shalt  }
0x56: {  	_ =	shalt  }
0x57: {  	_ =	shalt  }
0x58: {  	_ =	shalt  }
0x59: {  	_ =	shalt  }
0x5a: {  	_ =	shalt  }
0x5b: {  	_ =	shalt  }
0x5c: {  	_ =	shalt  }
0x5d: {  	_ =	shalt  }
0x5e: {  	_ =	shalt  }
0x5f: {  	_ =	shalt  }
0x60: {  	_ =	shalt  }
0x61: {  	_ =	shalt  }
0x62: {  	_ =	shalt  }
0x63: {  	_ =	shalt  }
0x64: {  	_ =	shalt  }
0x65: {  	_ =	shalt  }
0x66: {  	_ =	shalt  }
0x67: {  	_ =	shalt  }
0x68: {  	_ =	shalt  }
0x69: {  	_ =	shalt  }
0x6a: {  	_ =	shalt  }
0x6b: {  	_ =	shalt  }
0x6c: {  	_ =	shalt  }
0x6d: {  	_ =	shalt  }
0x6e: {  	_ =	shalt  }
0x6f: {  	_ =	shalt  }
0x70: {  	_ =	shalt  }
0x71: {  	_ =	shalt  }
0x72: {  	_ =	shalt  }
0x73: {  	_ =	shalt  }
0x74: {  	_ =	shalt  }
0x75: {  	_ =	shalt  }
0x76: {  	_ =	shalt  }
0x77: {  	_ =	shalt  }
0x78: {  	_ =	shalt  }
0x79: {  	_ =	shalt  }
0x7a: {  	_ =	shalt  }
0x7b: {  	_ =	shalt  }
0x7c: {  	_ =	shalt  }
0x7d: {  	_ =	shalt  }
0x7e: {  	_ =	shalt  }
0x7f: {  	_ =	shalt  }
0x80: {  	_ =	shalt  }
0x81: {  	_ =	shalt  }
0x82: {  	_ =	shalt  }
0x83: {  	_ =	shalt  }
0x84: {  	_ =	shalt  }
0x85: {  	_ =	shalt  }
0x86: {  	_ =	shalt  }
0x87: {  	_ =	shalt  }
.Lfunc_end0:
.L_simem_size_0:
called_computation_lowered:
.L_overlay_start_0:
0x88: {  	s2 =	sld [smem:$0x3FD9]  }
0x89: {  	s3 =	sld [smem:$0x3FFE];
	_ =	sdelay $0x1  }
0x8a: {  	s1 =	srdreg.scid  }
0x8b: {  	s0 =	sand.u32 $0x1, s1  }
0x8c: {  	s14 =	sshll.u32 s0, $0xA;
	s2 =	sadd.s32 s3, s2  }
0x8d: {  	s2 =	sadd.s32 s2, s14  }
0x8e: {  	[smem:$0x3FC6] =	sst s2  }
0x8f: {  	_ = 	snop  }
0x90: {  	s2 =	sld [smem:$0x3FD0];
	_ =	sdelay $0x2  }
0x91: {  	s15 =	simm.s32 $0xA;
	s4 =	simm.s32 $0x10  }
0x92: {  	[smem:s4], [sflag:s15] =	dma.local [hbm:s2], $0x1  }
0x93: {  	_ =	swait.eq [sflag:s15], $0x1  }
0x94: {  	[sflag:s15] =	ssyncset.done $0x0  }
0x95: {  	[sflag:s15] =	ssyncadd.s32 $0xFFFFFFFF  }
0x96: {  	s16 =	sld [smem:$0x10];
	(tm) =	ssettm $0x1  }
0x97: {  	s17 =	sld [smem:$0x3FFB];
	_ =	sdelay $0x3  }
0x98: {  	_ =	strace s17  }
0x99: {  	s3 =	sld [smem:$0x3FFC];
	_ =	sdelay $0x3  }
0x9a: {  	_ =	strace s3  }
0x9b: {  	s3 =	sld [smem:$0x3FFD];
	_ =	sdelay $0x3  }
0x9c: {  	_ =	strace s3  }
0x9d: {  	_ =	strace $0x8FFFFFFF  }
0x9e: {  	s18 =	sld [smem:$0x3FDB];
	_ =	sdelay $0x1  }
0x9f: {  	s19 =	simm.s32 $_scs_section_size  }
0xa0: {  	s5 =	simm.s32 $_size__tile_overlayer_lowered;
	s6 =	simm.s32 $_tile_overlayer_lowered  }
0xa1: {  	s22 =	simm.s32 $0x1BFF;
	s21 =	sshll.u32 s6, $0x1;
	s3 =	sadd.s32 s19, s18  }
0xa2: {  	s7 =	simm.s32 $0x0;
	s20 =	sshll.u32 s5, $0x1;
	s5 =	sadd.s32 s21, s3  }
0xa3: {  	[timem:s7], [sflag:s22] =	dma.local [hbm:s5], s20  }
0xa4: {  	_ =	swait.ge [sflag:s22], s20  }
0xa5: {  	s4 =	ssub.s32 $0x0, s20;
	[sflag:s22] =	ssyncset.done $0x0  }
0xa6: {  	[sflag:s22] =	ssyncadd.s32 s4;
	_ =	sdelay $0x1  }
0xa7: {  	s23 =	simm.s32 $0x1B8B  }
0xa8: {  	_ =	swait.ge [sflag:s23], $0x1  }
0xa9: {  	[sflag:s23] =	ssyncset.done $0x0  }
0xaa: {  	s25 =	simm.s32 $0x1B8E;
	s24 =	sld [smem:$0x3FFE];
	[sflag:s23] =	ssyncadd.s32 $0xFFFFFFFF  }
0xab: {  	s26 =	simm.s32 $execute0_lowered;
	[smem:$0x3FD2] =	sst s25  }
0xac: {  	s5 =	sshll.u32 s26, $0x1;
	_ =	strace $0x80000046;
	[dreg:$0x1] =	wrdreg $0xFFFFFFFF  }
0xad: {  	s28 =	simm.s32 $_size_execute0_lowered;
	s3 =	sadd.s32 s3, s5;
	[dreg:$0x0] =	wrdreg $0x0  }
0xae: {  	s5 =	sshll.u32 s28, $0x1;
	[dreg:$0x2] =	wrdreg s3  }
0xaf: {  	[dreg:$0x3] =	wrdreg s5  }
0xb0: {  	[dreg:$0x4] =	wrdreg $0xC0  }
0xb1: {  	_ =	task [dreg:s7], $0x5FFFF  }
0xb2: {  	[dreg:$0x1] =	wrdreg $0xFFFFFFFF  }
0xb3: {  	[dreg:$0x0] =	wrdreg $0x60  }
0xb4: {  	[dreg:$0x2] =	wrdreg s16  }
0xb5: {  	[dreg:$0x3] =	wrdreg s24  }
0xb6: {  	[dreg:$0x4] =	wrdreg $0x9  }
0xb7: {  	_ =	task.clear_ibuf [dreg:s7], $0x5FFFF;
	_ =	strace $0x90000046  }
0xb8: {  	s29 =	simm.s32 $0x9;
	_ =	strace $0x8000004F  }
0xb9: {  	_ =	swait.ge [sflag:s29], $0x1  }
0xba: {  	[sflag:s29] =	ssyncadd.s32 $0xFFFFFFFF  }
0xbb: {  	_ =	strace $0x9000004F  }
0xbc: {  	_ =	sfence  }
0xbd: {  	s30 =	sld [smem:$0x0];
	_ =	sdelay $0x2  }
0xbe: {  	s31 =	sshll.u32 s1, $0xD;
	s1 =	sshrl.u32 s1, $0x2  }
0xbf: {  	s3 =	sand.u32 $0x4000, s31;
	s1 =	sadd.s32 s1, s30  }
0xc0: {  	s0 =	sor.u32 s3, s0;
	s1 =	sshll.u32 s1, $0x11  }
0xc1: {  	s0 =	sor.u32 s1, s0  }
0xc2: {  	s0 =	sadd.s32 $0x8F2B, s0  }
0xc3: {  	[sflag:s0] =	ssyncadd.remote.s32 $0x1  }
0xc4: {  	_ =	sfence.sel $0xFFFF  }
0xc5: {  	[dreg:$0x0] =	wrdreg $0xFFFFFFFF;
	(pc) =	sbr.abs _section_cstart, $3  }
0xc6: {  	[dreg:$0x1] =	wrdreg $0xFFFFFFFF  }
0xc7: {  	_ =	task.clear_ibuf [dreg:s7], $0x2FFFF;
	_ =	strace $0x9FFFFFFF  }
0xc8: {  	(tm) =	ssettm $0x7FFFFFFF  }
0xc9: {  	_ =	shalt  }
tec
execute0_lowered:
.L_overlay_start_1:
0x0: {  	(tag) =	ssettag $0x1  }
0x1: {  	s0 =	rddreg [dreg:$0x0]  }
0x2: {  	s4 =	rddreg [dreg:$0x1]  }
0x3: {  	s1 =	simm.s32 $0x0;
	[dreg:$0x3] =	wrdreg s0  }
0x4: {  	s2 =	srdreg.scid;
	s8 =	simm.s32 $0x80;
	s0 =	rddreg [dreg:$0x2]  }
0x5: {  	s9 =	simm.s32 $0x4;
	s10 =	simm.s32 $0x0;
	[smem:$0x7FF] =	sst s1  }
0x6: {  	s3 =	sadd.s32 $0x80C00, s4;
	s5 =	sand.u32 $0x1, s2;
	s4 =	sadd.s32 $0x81C00, s4  }
0x7: {  	s2 =	stileid.u32;
	_ =	strace $0x80000047;
	[dreg:$0x5] =	wrdreg s4  }
0x8: {  	s6 =	ssub.s32 $0x2, s5;
	s5 =	sshll.u32 s5, $0x4;
	[dreg:$0x4] =	wrdreg s8  }
0x9: {  	s8 =	simm.s32 $0x5;
	s7 =	sshrl.u32 s6, $0x1;
	s5 =	sor.u32 s2, s5  }
0xa: {  	s6 =	ssub.s32 s6, s7;
	s31 =	sshll.u32 s5, $0x7;
	s4 =	sshll.u32 s5, $0x3  }
0xb: {  	s7 =	simm.s32 $0x1;
	s5 =	sadd.s32 s3, s31;
	s6 =	smax.u32 s6, $0x1  }
.LBB2_1:
0xc: {  	_ =	strace $0x80000048;
	s11 =	simm.s32 $0x1;
	p0 =	por $0x0, $0x0  }
0xd: {  	[tilespmem:s1], [sflag:$0x1] =	stream.linear.gather [hbm4b:s5+s1], $0x80, $0x200038;
	[tilespmem:$0x8100] =	vst v63  }
0xe: {  	s11 =	simm.s32 @p0 $0x0  }
0xf: {  	p4 =	por $0x1, $0x1;
	s20 =	sand.u32 $0x1, s1;
	p1 =	sne.s32 s11, $0x0  }
0x10: {  	p2 =	por $0x1, $0x1;
	s18 =	simm.s32 $0x6;
	p0 =	por !p4, !p1  }
0x11: {  	s16 =	simm.s32 $0x0;
	p5 =	por $0x0, $0x0;
	p0 =	por !p0, !p0  }
0x12: {  	s23 =	sadd.s32 $0x0, s4;
	s30 =	sadd.s32 $0x1, s20;
	s12 =	sadd.s32 @p0 s4, s11  }
0x13: {  	_ =	strace $0x90000048;
	s13 =	sand.u32 @p0 $0x1, s7;
	s12 =	sshll.u32 @p0 s12, $0x4  }
0x14: {  	_ =	strace @p0 $0x80000049;
	s15 =	simm.s32 @p0 $0x0;
	s12 =	sand.u32 @p0 $0x1FFFFFF0, s12  }
0x15: {  	s14 =	sshll.u32 @p0 s13, $0x7;
	s13 =	sadd.s32 @p0 $0x1, s13;
	s12 =	sadd.s32 @p0 s3, s12  }
0x16: {  	[tilespmem:s14], [sflag:s13] =	stream.linear.gather @p0 [hbm4b:s12+s15], $0x80, $0x200038;
	[tilespmem:$0x8100] =	vst v63  }
0x17: {  	p3 =	por p2, p2;
	s21 =	sshll.u32 s20, $0xE;
	_ =	strace @p0 $0x90000049  }
0x18: {  	s16 =	sand.u32 $0x80, s16;
	p2 =	por p5, p5;
	_ =	strace $0x8000004A  }
0x19: {  	s17 =	sadd.s32 $0x1, s11;
	s22 =	sor.u32 $0x100, s21;
	_ =	swait.ge [sflag:s30], $0x80  }
0x1a: {  	s21 =	simm.s32 $0x1;
	p6 =	por p1, p1;
	[sflag:s30] =	ssyncset.done $0x0  }
0x1b: {  	p1 =	por p3, p3;
	p4 =	por $0x1, $0x1;
	[sflag:s30] =	ssyncadd.s32 $0xFFFFFF80  }
0x1c: {  	s12 =	simm.s32 $0x7;
	s15 =	sand.u32 @!p3 $0x1, s1;
	_ =	strace $0x9000004A  }
0x1d: {  	s13 =	simm.s32 $0x1;
	p3 =	seq.s32 s17, $0x8;
	_ =	strace $0x8000004B  }
0x1e: {  	s13 =	simm.s32 @!p0 $0x0;
	s17 =	simm.s32 @p3 $0x0;
	s19 =	rddreg [dreg:$0x4]  }
0x1f: {  	p0 =	por $0x0, $0x0;
	s14 =	sadd.s32 $0x1, s13;
	s31 =	rddreg [dreg:$0x3]  }
0x20: {  	[tilespmem:s22], [sflag:$0x5] =	stream.indirect.gather [hbm4b:s31+s19], $0x80, s16, s19, $0x2000b8;
	[tilespmem:$0x8100] =	vst v63  }
0x21: {  	p3 =	sne.s32 s11, s17;
	s21 =	simm.s32 @!p0 $0x0;
	_ =	swait.ge [sflag:s8], $0x4000  }
0x22: {  	p5 =	por !p4, !p3;
	p4 =	por $0x0, $0x0;
	[sflag:s8] =	ssyncset.done $0x0  }
0x23: {  	s13 =	simm.s32 $0x0;
	p6 =	por p4, p6;
	[sflag:s8] =	ssyncadd.s32 $0xFFFFC000  }
0x24: {  	s16 =	simm.s32 $0x0;
	s19 =	simm.s32 $0x0;
	_ =	strace $0x9000004B  }
.LBB2_2:
0x25: {  	_ =	strace @p6 $0x8000004C;
	s13 =	sadd.s32 s21, s13;
	s21 =	smov.u32 s12  }
0x26: {  	s12 =	smov.u32 s18;
	s18 =	sadd.s32 $0xFFFFFFFF, s18;
	p0 =	por p3, p3  }
0x27: {  	s28 =	sshll.u32 @p6 s23, $0xB;
	s20 =	sadd.s32 @p6 $0x3, s20;
	s24 =	simm.s32 @!p0 $0x0  }
0x28: {  	s25 =	rddreg [dreg:$0x5];
	s28 =	sand.u32 @p6 $0x1FFFF800, s28;
	s24 =	simm.s32 @p0 $0x1  }
0x29: {  	s25 =	sadd.s32 @p6 s25, s28;
	s28 =	simm.s32 @p6 $0x0;
	p0 =	sne.s32 s18, $0x0  }
0x2a: {  	[hbm4b:s25+s28] =	stream.linear.scatter @p6 [tilespmem:s22], [sflag:s20], $0x4000, $0x200038;
	[tilespmem:$0x8100] =	vst v63  }
0x2b: {  	s20 =	sadd.s32 @!p1 $0x3, s15;
	s15 =	simm.s32 @!p0 $0x0  }
0x2c: {  	s26 =	simm.s32 $0x1;
	[smem:$0x7FC] =	sst s24;
	s15 =	simm.s32 @p0 $0x1  }
0x2d: {  	s26 =	simm.s32 @!p6 $0x0;
	_ =	strace @p6 $0x9000004C;
	[smem:$0x7FD] =	sst s15  }
0x2e: {  	p5 =	por !p5, !p5;
	s19 =	sadd.s32 s26, s19;
	_ =	strace @!p1 $0x8000004D  }
0x2f: {  	s24 =	sand.u32 @!p2 $0x1, s13;
	s22 =	sand.u32 @p5 $0x1, s14;
	_ =	swait.ge @!p1 [sflag:s20], $0x4000  }
0x30: {  	s15 =	smov.u32 s24;
	s24 =	sadd.s32 @p5 s4, s17;
	[sflag:s20] =	ssyncset.done @!p1 $0x0  }
0x31: {  	s25 =	sshll.u32 @p5 s22, $0x7;
	s24 =	sshll.u32 @p5 s24, $0x4;
	[sflag:s20] =	ssyncadd.s32 @!p1 $0xFFFFC000  }
0x32: {  	s20 =	sadd.s32 @p5 $0x1, s22;
	s22 =	sand.u32 @p5 $0x1FFFFFF0, s24;
	_ =	strace @!p1 $0x9000004D  }
0x33: {  	s24 =	simm.s32 @p5 $0x0;
	s22 =	sadd.s32 @p5 s3, s22;
	_ =	strace @p5 $0x80000049  }
0x34: {  	[tilespmem:s25], [sflag:s20] =	stream.linear.gather @p5 [hbm4b:s22+s24], $0x80, $0x200038;
	[tilespmem:$0x8100] =	vst v63  }
0x35: {  	s16 =	sadd.s32 s26, s16;
	s26 =	sand.u32 $0x1, s19;
	_ =	strace @p5 $0x90000049  }
0x36: {  	s24 =	sadd.s32 $0x1, s26;
	_ =	strace $0x8000004A  }
0x37: {  	_ =	swait.ge [sflag:s24], $0x80  }
0x38: {  	[sflag:s24] =	ssyncset.done $0x0  }
0x39: {  	s20 =	simm.s32 $0x1;
	[sflag:s24] =	ssyncadd.s32 $0xFFFFFF80  }
0x3a: {  	s20 =	simm.s32 @!p5 $0x0;
	_ =	strace $0x9000004A  }
0x3b: {  	s14 =	sadd.s32 s20, s14;
	s20 =	sand.u32 $0x1, s16;
	_ =	strace $0x8000004B  }
0x3c: {  	s29 =	sshll.u32 s19, $0x7;
	s25 =	sshll.u32 s20, $0xE;
	s26 =	rddreg [dreg:$0x4]  }
0x3d: {  	s29 =	sand.u32 $0x80, s29;
	s22 =	sor.u32 $0x100, s25;
	s30 =	rddreg [dreg:$0x3]  }
0x3e: {  	[tilespmem:s22], [sflag:$0x5] =	stream.indirect.gather [hbm4b:s30+s26], $0x80, s29, s26, $0x2000b8;
	[tilespmem:$0x8100] =	vst v63  }
0x3f: {  	_ =	swait.ge [sflag:s8], $0x4000  }
0x40: {  	s31 =	sadd.s32 $0x1, s17;
	[sflag:s8] =	ssyncset.done $0x0  }
0x41: {  	s23 =	sadd.s32 s4, s11;
	s11 =	smov.u32 s17;
	[sflag:s8] =	ssyncadd.s32 $0xFFFFC000  }
0x42: {  	p3 =	seq.s32 s31, $0x8;
	s17 =	smov.u32 s31;
	_ =	strace $0x9000004B  }
0x43: {  	s17 =	simm.s32 @p3 $0x0;
	s31 =	sld [smem:$0x7FD]  }
0x44: {  	p6 =	sne.s32 s12, $0x1;
	p0 =	sne.s32 s21, $0x8;
	p3 =	sne.s32 s11, s17  }
0x45: {  	p5 =	por !p6, !p3;
	p6 =	seq.s32 s21, $0x1;
	s21 =	simm.s32 $0x1  }
0x46: {  	s21 =	simm.s32 @!p0 $0x0;
	p0 =	seq.s32 s31, $0x1  }
.Ltmp0:
0x47: {  	s30 =	sld [smem:$0x7FC];
	(pc) =	sbr.rel @p0 .LBB2_2-.Ltmp0, $4  }
0x48: {  	_ = 	snop  }
0x49: {  	p4 =	seq.s32 s12, $0x8  }
0x4a: {  	p1 =	por p2, p2;
	p2 =	por p4, p4;
	p4 =	seq.s32 s30, $0x1  }
0x4b: {  	p6 =	por p6, p4  }
0x4c: {  	_ =	strace @p6 $0x8000004C;
	s23 =	sshll.u32 @p6 s23, $0xB  }
0x4d: {  	s18 =	rddreg [dreg:$0x5];
	s23 =	sand.u32 @p6 $0x1FFFF800, s23  }
0x4e: {  	s20 =	sadd.s32 @p6 $0x3, s20;
	s18 =	sadd.s32 @p6 s18, s23;
	s23 =	simm.s32 @p6 $0x0  }
0x4f: {  	[hbm4b:s18+s23] =	stream.linear.scatter @p6 [tilespmem:s22], [sflag:s20], $0x4000, $0x200038;
	[tilespmem:$0x8100] =	vst v63  }
0x50: {  	p0 =	por !p5, !p5;
	_ =	strace @p6 $0x9000004C  }
0x51: {  	s15 =	sadd.s32 @!p1 $0x3, s15;
	s17 =	sadd.s32 @p0 s4, s17;
	_ =	strace @!p1 $0x8000004D  }
0x52: {  	s14 =	sand.u32 @p0 $0x1, s14;
	s17 =	sshll.u32 @p0 s17, $0x4;
	_ =	swait.ge @!p1 [sflag:s15], $0x4000  }
0x53: {  	s18 =	simm.s32 $0x1;
	s20 =	sshll.u32 @p0 s14, $0x7;
	[sflag:s15] =	ssyncset.done @!p1 $0x0  }
0x54: {  	s14 =	sadd.s32 @p0 $0x1, s14;
	s18 =	simm.s32 @!p6 $0x0;
	[sflag:s15] =	ssyncadd.s32 @!p1 $0xFFFFC000  }
0x55: {  	s19 =	sadd.s32 s18, s19;
	s15 =	sand.u32 @p0 $0x1FFFFFF0, s17;
	_ =	strace @!p1 $0x9000004D  }
0x56: {  	s17 =	simm.s32 @p0 $0x0;
	s15 =	sadd.s32 @p0 s3, s15;
	_ =	strace @p0 $0x80000049  }
0x57: {  	[tilespmem:s20], [sflag:s14] =	stream.linear.gather @p0 [hbm4b:s15+s17], $0x80, $0x200038;
	[tilespmem:$0x8100] =	vst v63  }
0x58: {  	s25 =	sand.u32 $0x1, s19;
	_ =	strace @p0 $0x90000049  }
0x59: {  	s14 =	sadd.s32 $0x1, s25;
	_ =	strace $0x8000004A  }
0x5a: {  	_ =	swait.ge [sflag:s14], $0x80  }
0x5b: {  	[sflag:s14] =	ssyncset.done $0x0  }
0x5c: {  	[sflag:s14] =	ssyncadd.s32 $0xFFFFFF80  }
0x5d: {  	s26 =	sadd.s32 s18, s16;
	_ =	strace $0x9000004A  }
0x5e: {  	s14 =	sand.u32 $0x1, s26;
	_ =	strace $0x8000004B  }
0x5f: {  	s30 =	sshll.u32 s19, $0x7;
	s31 =	sshll.u32 s14, $0xE;
	s28 =	rddreg [dreg:$0x4]  }
0x60: {  	s17 =	sand.u32 $0x80, s30;
	s18 =	sor.u32 $0x100, s31;
	s29 =	rddreg [dreg:$0x3]  }
0x61: {  	[tilespmem:s18], [sflag:$0x5] =	stream.indirect.gather [hbm4b:s29+s28], $0x80, s17, s28, $0x2000b8;
	[tilespmem:$0x8100] =	vst v63  }
0x62: {  	_ =	swait.ge [sflag:s8], $0x4000  }
0x63: {  	[sflag:s8] =	ssyncset.done $0x0  }
0x64: {  	p5 =	por p3, p3;
	p6 =	seq.s32 s12, $0x1;
	[sflag:s8] =	ssyncadd.s32 $0xFFFFC000  }
0x65: {  	s11 =	sadd.s32 s4, s11;
	p0 =	por p6, p5;
	_ =	strace $0x9000004B  }
0x66: {  	s11 =	sshll.u32 @p0 s11, $0xB;
	_ =	strace @p0 $0x8000004C  }
0x67: {  	s13 =	sadd.s32 s21, s13;
	s11 =	sand.u32 @p0 $0x1FFFF800, s11;
	s12 =	rddreg [dreg:$0x5]  }
0x68: {  	s14 =	sadd.s32 @p0 $0x3, s14;
	s11 =	sadd.s32 @p0 s12, s11;
	s12 =	simm.s32 @p0 $0x0  }
0x69: {  	[hbm4b:s11+s12] =	stream.linear.scatter @p0 [tilespmem:s18], [sflag:s14], $0x4000, $0x200038;
	[tilespmem:$0x8100] =	vst v63  }
0x6a: {  	p1 =	por p2, p2;
	s11 =	sand.u32 @!p2 $0x1, s13;
	_ =	strace @p0 $0x9000004C  }
0x6b: {  	s11 =	sadd.s32 @!p1 $0x3, s11;
	_ =	strace @!p1 $0x8000004D  }
0x6c: {  	_ =	swait.ge @!p1 [sflag:s11], $0x4000  }
0x6d: {  	[sflag:s11] =	ssyncset.done @!p1 $0x0  }
0x6e: {  	s10 =	sadd.s32 $0x1, s10;
	[sflag:s11] =	ssyncadd.s32 @!p1 $0xFFFFC000  }
0x6f: {  	p0 =	sne.s32 s10, s6;
	_ =	strace @!p1 $0x9000004D  }
.Ltmp1:
0x70: {  	_ =	strace $0x8000004E;
	(pc) =	sbr.rel @p0 .LBB2_1-.Ltmp1, $4  }
0x71: {  	_ =	swait.ge [sflag:s9], $0x4000  }
0x72: {  	[sflag:s9] =	ssyncset.done $0x0  }
0x73: {  	[sflag:s9] =	ssyncadd.s32 $0xFFFFC000  }
0x74: {  	_ =	strace $0x9000004E  }
0x75: {  	_ =	sfence.sel $0x180000  }
0x76: {  	[bflag:$0x0] =	sbarrier.arrive $0xFFFF  }
0x77: {  	p0 =	sne.s32 s2, $0x0;
	_ =	strace $0x90000047  }
0x78: {  	s0 =	sadd.s32 @!p0 $0x100000, s0;
	[bflag:$0x2] =	sbarrier.arrive $0xFFFF  }
0x79: {  	[sflag:s0] =	ssyncadd.tile.s32 @!p0 $0x1;
	_ =	shalt  }
.Lfunc_end2:
_tile_overlayer_lowered:
.L_overlay_start_2:
0x7a: {  	(tag) =	ssettag $0x2  }
0x7b: {  	s0 =	rddreg [dreg:$0x0];
	s2 =	stileid.u32  }
0x7c: {  	s1 =	rddreg [dreg:$0x1];
	p0 =	sne.s32 s2, $0x0  }
0x7d: {  	s3 =	rddreg [dreg:$0x2];
	[bflag:$0x3] =	sbarrier.arrive $0xFFFF;
	s2 =	simm.s32 @!p0 $0x1C01  }
0x7e: {  	[timem:s3], [sflag:s2] =	dma.local @!p0 [hbm:s0], s1  }
0x7f: {  	s0 =	simm.s32 @!p0 $0x1  }
0x80: {  	_ =	swait.ge @!p0 [sflag:s0], s1  }
0x81: {  	s1 =	ssub.s32 @!p0 $0x0, s1;
	[sflag:s0] =	ssyncset.done @!p0 $0x0  }
0x82: {  	[sflag:s0] =	ssyncadd.s32 @!p0 s1  }
0x83: {  	[bflag:$0x3] =	sbarrier.arrive $0xFFFF  }
0x84: {  	_ =	shalt  }

</sc_bundles>
